<compile_context>
chip_gen: v7x
topology: tpu7x:2x2x1
jax: 0.10.2.dev20260603
libtpu: 0.0.44.dev20260713+nightly
codegen_flags: <defaults>
</compile_context>

<pallas_src>
import functools

import jax
import jax.numpy as jnp
from jax import lax
from jax.experimental import pallas as pl
from jax.experimental.pallas import tpu as pltpu
from jax.experimental.pallas import tpu_sc as plsc

B, T, C = 2, 2048, 768
E, TOPK = 64, 2
HID = 4 * C
N = B * T
CAP = max(int(N * TOPK / E), 1)
DUMP = E * CAP
NSLOT = DUMP + N * TOPK
TB = 512
NBLK = N // TB
HID2 = HID // 2


def _routing_body(x_ref, w_ref, b_ref, eps_ref,
                  dd_ref, gg_ref, cnt_ref, lb_ref,
                  counts_s, gsum_s):
    blk = pl.program_id(0)

    xb = x_ref[...]
    both = jnp.dot(xb, w_ref[...], preferred_element_type=jnp.float32)
    both = both + b_ref[...]
    logits = both[:, :E]
    nl = both[:, E:]
    sd = jnp.maximum(nl, 0.0) + jnp.log1p(jnp.exp(-jnp.abs(nl)))
    z = logits + eps_ref[...] * sd

    col = jax.lax.broadcasted_iota(jnp.int32, (TB, E), 1)
    big = jnp.int32(E)

    v1 = jnp.max(z, axis=1, keepdims=True)
    a1 = jnp.min(jnp.where(z == v1, col, big), axis=1, keepdims=True)
    oh1 = (col == a1)
    z2 = jnp.where(oh1, -jnp.inf, z)
    v2 = jnp.max(z2, axis=1, keepdims=True)
    a2 = jnp.min(jnp.where(z2 == v2, col, big), axis=1, keepdims=True)
    oh2 = (col == a2)

    e2 = jnp.exp(v2 - v1)
    g1 = 1.0 / (1.0 + e2)
    g2 = e2 / (1.0 + e2)

    oh1f = oh1.astype(jnp.float32)
    oh2f = oh2.astype(jnp.float32)

    @pl.when(blk == 0)
    def _():
        counts_s[...] = jnp.zeros((1, E), jnp.float32)
        gsum_s[...] = jnp.zeros((1, E), jnp.float32)

    gsum_s[...] += jnp.sum(oh1f * g1 + oh2f * g2, axis=0, keepdims=True)

    r = jax.lax.broadcasted_iota(jnp.int32, (TB, TB), 0)
    c = jax.lax.broadcasted_iota(jnp.int32, (TB, TB), 1)
    ltri = (r > c).astype(jnp.float32)
    m = oh1f + oh2f
    pexcl = jnp.dot(ltri, m, preferred_element_type=jnp.float32)
    pos_mat = pexcl + counts_s[...]
    pos1 = jnp.sum(oh1f * pos_mat, axis=1, keepdims=True)
    pos2 = jnp.sum(oh2f * pos_mat, axis=1, keepdims=True)
    counts_s[...] += jnp.sum(m, axis=0, keepdims=True)

    tglob = blk * TB + jax.lax.broadcasted_iota(jnp.int32, (TB, 1), 0)
    p1 = pos1.astype(jnp.int32)
    p2 = pos2.astype(jnp.int32)
    d1 = jnp.where(p1 < CAP, a1 * CAP + p1, DUMP + 2 * tglob)
    d2 = jnp.where(p2 < CAP, a2 * CAP + p2, DUMP + 2 * tglob + 1)

    dd_ref[...] = jnp.concatenate([d1, d2], axis=1)
    gg_ref[...] = jnp.concatenate([g1, g2], axis=1)

    @pl.when(blk == NBLK - 1)
    def _():
        cnt_ref[...] = counts_s[...]
        frac = gsum_s[...] * (1.0 / N)
        dev = frac - (1.0 / E)
        lb_ref[...] = 0.01 * jnp.sum(dev * dev, axis=1, keepdims=True) / E


def _routing(xf, Wrn, brn, eps):
    out_shapes = (
        jax.ShapeDtypeStruct((N, 2), jnp.int32),
        jax.ShapeDtypeStruct((N, 2), jnp.float32),
        jax.ShapeDtypeStruct((1, E), jnp.float32),
        jax.ShapeDtypeStruct((1, 1), jnp.float32),
    )
    tokspec = pl.BlockSpec((TB, 2), lambda i: (i, 0))
    return pl.pallas_call(
        _routing_body,
        grid=(NBLK,),
        in_specs=[
            pl.BlockSpec((TB, C), lambda i: (i, 0)),
            pl.BlockSpec((C, 2 * E), lambda i: (0, 0)),
            pl.BlockSpec((1, 2 * E), lambda i: (0, 0)),
            pl.BlockSpec((TB, E), lambda i: (i, 0)),
        ],
        out_specs=(
            tokspec, tokspec,
            pl.BlockSpec((1, E), lambda i: (0, 0)),
            pl.BlockSpec((1, 1), lambda i: (0, 0)),
        ),
        out_shape=out_shapes,
        scratch_shapes=[
            pltpu.VMEM((1, E), jnp.float32),
            pltpu.VMEM((1, E), jnp.float32),
        ],
    )(xf, Wrn, brn, eps)


NW = 16
NCHUNK = (N * TOPK) // NW // 128


def _dispatch_scatter(dd, tt, gg):
    mesh = plsc.VectorSubcoreMesh(core_axis_name="c", subcore_axis_name="s",
                                  num_cores=1)

    @functools.partial(
        pl.kernel,
        mesh=mesh,
        out_type=[
            jax.ShapeDtypeStruct((NSLOT,), jnp.int32),
            jax.ShapeDtypeStruct((NSLOT,), jnp.float32),
        ],
        scratch_types=[
            pltpu.VMEM((NCHUNK, 128), jnp.int32),
            pltpu.VMEM((NCHUNK, 128), jnp.int32),
            pltpu.VMEM((NCHUNK, 128), jnp.float32),
            pltpu.SemaphoreType.DMA,
            pltpu.SemaphoreType.DMA,
        ],
    )
    def k(dd_hbm, tt_hbm, gg_hbm, tok_o, gate_o, idx_v, tv, gv, sem_in,
          sem_out):
        wid = lax.axis_index("s")
        ins = [pltpu.async_copy(dd_hbm.at[wid], idx_v, sem_in),
               pltpu.async_copy(tt_hbm.at[wid], tv, sem_in),
               pltpu.async_copy(gg_hbm.at[wid], gv, sem_in)]
        for cp in ins:
            cp.wait()
        outs = []
        for c in range(NCHUNK):
            outs.append(
                pltpu.async_copy(tv.at[c], tok_o.at[idx_v.at[c]], sem_out))
            outs.append(
                pltpu.async_copy(gv.at[c], gate_o.at[idx_v.at[c]], sem_out))
        for cp in outs:
            cp.wait()

    return k(dd.reshape(NW, NCHUNK, 128), tt.reshape(NW, NCHUNK, 128),
             gg.reshape(NW, NCHUNK, 128))


def _ffn_body(tok_s, gate_s, cnt_s,
              xf_ref, w1_ref, b1_ref, w2_ref, b2_ref,
              out_ref, xi_ref, oe_ref):
    e = pl.program_id(0)
    j = pl.program_id(1)

    @pl.when(jnp.logical_and(e == 0, j == 0))
    def _():
        out_ref[...] = jnp.zeros((N, C), jnp.float32)

    @pl.when(j == 0)
    def _():
        def gather(i, _):
            tid = jnp.clip(tok_s[e * CAP + i], 0, N - 1)
            xi_ref[pl.ds(i, 1), :] = xf_ref[pl.ds(tid, 1), :]
            return 0
        jax.lax.fori_loop(0, CAP, gather, 0)

    h = jnp.dot(xi_ref[...], w1_ref[0], preferred_element_type=jnp.float32)
    h = jnp.maximum(h + b1_ref[0, 0], 0.0)
    part = jnp.dot(h, w2_ref[0], preferred_element_type=jnp.float32)

    @pl.when(j == 0)
    def _():
        oe_ref[...] = part

    @pl.when(j == 1)
    def _():
        oe_ref[...] += part + b2_ref[0, 0]
        cnt = cnt_s[e]

        def scat(i, _):
            g = jnp.where(i < cnt, gate_s[e * CAP + i], 0.0)
            tid = jnp.clip(tok_s[e * CAP + i], 0, N - 1)
            out_ref[pl.ds(tid, 1), :] += oe_ref[pl.ds(i, 1), :] * g
            return 0
        jax.lax.fori_loop(0, CAP, scat, 0)


def _ffn(tok, gate, cnt, xf, W1, b1, W2, b2):
    grid_spec = pltpu.PrefetchScalarGridSpec(
        num_scalar_prefetch=3,
        grid=(E, 2),
        in_specs=[
            pl.BlockSpec((N, C), lambda e, j, *_: (0, 0)),
            pl.BlockSpec((1, C, HID2), lambda e, j, *_: (e, 0, j)),
            pl.BlockSpec((1, 1, HID2), lambda e, j, *_: (e, 0, j)),
            pl.BlockSpec((1, HID2, C), lambda e, j, *_: (e, j, 0)),
            pl.BlockSpec((1, 1, C), lambda e, j, *_: (e, 0, 0)),
        ],
        out_specs=pl.BlockSpec((N, C), lambda e, j, *_: (0, 0)),
        scratch_shapes=[
            pltpu.VMEM((CAP, C), jnp.float32),
            pltpu.VMEM((CAP, C), jnp.float32),
        ],
    )
    return pl.pallas_call(
        _ffn_body,
        grid_spec=grid_spec,
        out_shape=jax.ShapeDtypeStruct((N, C), jnp.float32),
    )(tok, gate, cnt, xf, W1, b1.reshape(E, 1, HID), W2, b2.reshape(E, 1, C))


def kernel(x, Wr, br, Wn, bn, W1, b1, W2, b2):
    xf = x.reshape(N, C)
    eps = jax.random.normal(jax.random.key(42), (N, E), dtype=jnp.float32)
    Wrn = jnp.concatenate([Wr, Wn], axis=1)
    brn = jnp.concatenate([br, bn]).reshape(1, 2 * E)

    dd, gg, counts, lb = _routing(xf, Wrn, brn, eps)

    tt = jnp.broadcast_to(jnp.arange(N, dtype=jnp.int32)[:, None], (N, TOPK))

    tok_full, gate_full = _dispatch_scatter(dd, tt, gg)
    tok, gate = tok_full[:DUMP], gate_full[:DUMP]
    cnt = jnp.minimum(counts[0], CAP).astype(jnp.int32)

    out = _ffn(tok, gate, cnt, xf, W1, b1, W2, b2)
    return (out.reshape(B, T, C), lb.reshape(()))

# --- scband reference (transcript-rebuilt; emitter-appended) ---
"""Pipeline reference for scband-sparse-mo-e-63419487093416 (READ-ONLY COPY).

The authoritative reference and input builder live on the scoring server;
editing this copy changes nothing except your own understanding.
"""

import jax, jax.numpy as jnp
import numpy as np

B, T, C = 2, 2048, 768
E, TOPK = 64, 2
HID = 4 * C
CAP = max(int(B * T * TOPK / E * 1.0), 1)


def setup_inputs(seed: int = 0) -> dict:
    key = jax.random.key(seed)
    ks = jax.random.split(key, 9)
    x = jax.random.normal(ks[0], (B, T, C), dtype=jnp.float32)
    Wr = jax.random.normal(ks[1], (C, E), dtype=jnp.float32) * 0.02
    br = jnp.zeros((E,), dtype=jnp.float32)
    Wn = jax.random.normal(ks[2], (C, E), dtype=jnp.float32) * 0.02
    bn = jnp.zeros((E,), dtype=jnp.float32)
    W1 = jax.random.normal(ks[3], (E, C, HID), dtype=jnp.float32) * 0.02
    b1 = jnp.zeros((E, HID), dtype=jnp.float32)
    W2 = jax.random.normal(ks[4], (E, HID, C), dtype=jnp.float32) * 0.02
    b2 = jnp.zeros((E, C), dtype=jnp.float32)
    return {"x": x, "Wr": Wr, "br": br, "Wn": Wn, "bn": bn, "W1": W1, "b1": b1, "W2": W2, "b2": b2}


def reference(x, Wr, br, Wn, bn, W1, b1, W2, b2):
    N = B * T
    xf = x.reshape(N, C)
    # NoisyTopkRouter (dropout in Expert is identity in eval mode; router noise uses a fixed key)
    logits = xf @ Wr + br
    noise_logits = xf @ Wn + bn
    noise_stddev = jax.nn.softplus(noise_logits)
    eps = jax.random.normal(jax.random.key(42), (N, E), dtype=jnp.float32)
    noisy_logits = logits + eps * noise_stddev
    top_vals, top_idx = jax.lax.top_k(noisy_logits, TOPK)
    sparse_logits = jnp.full((N, E), -jnp.inf, dtype=jnp.float32).at[jnp.arange(N)[:, None], top_idx].set(top_vals)
    gates = jax.nn.softmax(sparse_logits, axis=-1)
    # load-balancing loss
    expert_fraction = gates.mean(axis=0)
    lb_loss = jnp.mean((expert_fraction - 1.0 / E) ** 2)
    # capacity-limited expert dispatch
    updates = jnp.zeros((N, C), dtype=jnp.float32)
    for i in range(E):
        mask = (top_idx == i).any(axis=-1)
        sel = jnp.nonzero(mask, size=CAP, fill_value=N)[0]
        valid = (sel < N).astype(jnp.float32)[:, None]
        si = jnp.clip(sel, 0, N - 1)
        xi = xf[si]
        h = jax.nn.relu(xi @ W1[i] + b1[i])
        out = h @ W2[i] + b2[i]
        g = gates[si, i][:, None]
        updates = updates.at[si].add(out * g * valid)
    final_output = updates.reshape(B, T, C)
    return (final_output, 0.01 * lb_loss)

if __name__ == "__main__":
    import jax
    _d = setup_inputs()
    print(jax.jit(kernel)(*tuple(_d.values())))

</pallas_src>

<mosaic_0001>
#map = affine_map<(d0, d1) -> (0, 0, 0)>
#map1 = affine_map<(d0, d1) -> (0)>
module attributes {stable_mosaic.version = 14 : i64} {
  func.func @k(%arg0: i32, %arg1: i32, %arg2: memref<16x4x128xi32, #tpu.memory_space<hbm>>, %arg3: memref<16x4x128xi32, #tpu.memory_space<hbm>>, %arg4: memref<16x4x128xf32, #tpu.memory_space<hbm>>, %arg5: memref<16384xi32, #tpu.memory_space<hbm>>, %arg6: memref<16384xf32, #tpu.memory_space<hbm>>, %arg7: memref<4x128xi32, #tpu.memory_space<vmem>>, %arg8: memref<4x128xi32, #tpu.memory_space<vmem>>, %arg9: memref<4x128xf32, #tpu.memory_space<vmem>>, %arg10: memref<!tpu.dma_semaphore, #tpu.memory_space<semaphore_mem>>, %arg11: memref<!tpu.dma_semaphore, #tpu.memory_space<semaphore_mem>>) attributes {dimension_semantics = [#tpu.dimension_semantics<core_parallel>, #tpu.dimension_semantics<subcore_parallel>], iteration_bounds = array<i64: 1, 16>, scalar_prefetch = 0 : i64, scratch_operands = 5 : i64, tpu.core_type = #tpu.core_type<sc_vector_subcore>, window_params = [{transform_indices = #map}, {transform_indices = #map}, {transform_indices = #map}, {transform_indices = #map1}, {transform_indices = #map1}]} {
    %dma_start3A = arith.constant 0 : i32
    %dma_start3A_0 = arith.constant 0 : i32
    %dma_start3A_1 = tpu.memref_slice %arg2[%arg1, %dma_start3A, %dma_start3A_0] : memref<16x4x128xi32, #tpu.memory_space<hbm>> -> memref<1x4x128xi32, #tpu.memory_space<hbm>>
    %dma_start3A_2 = tpu.memref_squeeze %dma_start3A_1 : memref<1x4x128xi32, #tpu.memory_space<hbm>> -> memref<4x128xi32, #tpu.memory_space<hbm>>
    %dma_start3A_3 = arith.constant 0 : i32
    %dma_start3A_4 = arith.constant 0 : i32
    %dma_start3A_5 = tpu.memref_slice %arg2[%arg1, %dma_start3A_3, %dma_start3A_4] : memref<16x4x128xi32, #tpu.memory_space<hbm>> -> memref<1x4x128xi32, #tpu.memory_space<hbm>>
    %dma_start3A_6 = tpu.memref_squeeze %dma_start3A_5 : memref<1x4x128xi32, #tpu.memory_space<hbm>> -> memref<4x128xi32, #tpu.memory_space<hbm>>
    tpu.enqueue_dma source(%dma_start3A_6 : memref<4x128xi32, #tpu.memory_space<hbm>>) target(%arg7 : memref<4x128xi32, #tpu.memory_space<vmem>>) target_semaphore(%arg10 : memref<!tpu.dma_semaphore, #tpu.memory_space<semaphore_mem>>)
    %dma_start3A_7 = arith.constant 0 : i32
    %dma_start3A_8 = arith.constant 0 : i32
    %dma_start3A_9 = tpu.memref_slice %arg3[%arg1, %dma_start3A_7, %dma_start3A_8] : memref<16x4x128xi32, #tpu.memory_space<hbm>> -> memref<1x4x128xi32, #tpu.memory_space<hbm>>
    %dma_start3A_10 = tpu.memref_squeeze %dma_start3A_9 : memref<1x4x128xi32, #tpu.memory_space<hbm>> -> memref<4x128xi32, #tpu.memory_space<hbm>>
    %dma_start3A_11 = arith.constant 0 : i32
    %dma_start3A_12 = arith.constant 0 : i32
    %dma_start3A_13 = tpu.memref_slice %arg3[%arg1, %dma_start3A_11, %dma_start3A_12] : memref<16x4x128xi32, #tpu.memory_space<hbm>> -> memref<1x4x128xi32, #tpu.memory_space<hbm>>
    %dma_start3A_14 = tpu.memref_squeeze %dma_start3A_13 : memref<1x4x128xi32, #tpu.memory_space<hbm>> -> memref<4x128xi32, #tpu.memory_space<hbm>>
    tpu.enqueue_dma source(%dma_start3A_14 : memref<4x128xi32, #tpu.memory_space<hbm>>) target(%arg8 : memref<4x128xi32, #tpu.memory_space<vmem>>) target_semaphore(%arg10 : memref<!tpu.dma_semaphore, #tpu.memory_space<semaphore_mem>>)
    %dma_start3A_15 = arith.constant 0 : i32
    %dma_start3A_16 = arith.constant 0 : i32
    %dma_start3A_17 = tpu.memref_slice %arg4[%arg1, %dma_start3A_15, %dma_start3A_16] : memref<16x4x128xf32, #tpu.memory_space<hbm>> -> memref<1x4x128xf32, #tpu.memory_space<hbm>>
    %dma_start3A_18 = tpu.memref_squeeze %dma_start3A_17 : memref<1x4x128xf32, #tpu.memory_space<hbm>> -> memref<4x128xf32, #tpu.memory_space<hbm>>
    %dma_start3A_19 = arith.constant 0 : i32
    %dma_start3A_20 = arith.constant 0 : i32
    %dma_start3A_21 = tpu.memref_slice %arg4[%arg1, %dma_start3A_19, %dma_start3A_20] : memref<16x4x128xf32, #tpu.memory_space<hbm>> -> memref<1x4x128xf32, #tpu.memory_space<hbm>>
    %dma_start3A_22 = tpu.memref_squeeze %dma_start3A_21 : memref<1x4x128xf32, #tpu.memory_space<hbm>> -> memref<4x128xf32, #tpu.memory_space<hbm>>
    tpu.enqueue_dma source(%dma_start3A_22 : memref<4x128xf32, #tpu.memory_space<hbm>>) target(%arg9 : memref<4x128xf32, #tpu.memory_space<vmem>>) target_semaphore(%arg10 : memref<!tpu.dma_semaphore, #tpu.memory_space<semaphore_mem>>)
    %dma_wait3A = arith.constant 0 : i32
    %dma_wait3A_23 = arith.constant 0 : i32
    %dma_wait3A_24 = tpu.memref_slice %arg2[%arg1, %dma_wait3A, %dma_wait3A_23] : memref<16x4x128xi32, #tpu.memory_space<hbm>> -> memref<1x4x128xi32, #tpu.memory_space<hbm>>
    %dma_wait3A_25 = tpu.memref_squeeze %dma_wait3A_24 : memref<1x4x128xi32, #tpu.memory_space<hbm>> -> memref<4x128xi32, #tpu.memory_space<hbm>>
    %dma_wait3A_26 = arith.constant 0 : i32
    %dma_wait3A_27 = arith.constant 0 : i32
    %dma_wait3A_28 = tpu.memref_slice %arg2[%arg1, %dma_wait3A_26, %dma_wait3A_27] : memref<16x4x128xi32, #tpu.memory_space<hbm>> -> memref<1x4x128xi32, #tpu.memory_space<hbm>>
    %dma_wait3A_29 = tpu.memref_squeeze %dma_wait3A_28 : memref<1x4x128xi32, #tpu.memory_space<hbm>> -> memref<4x128xi32, #tpu.memory_space<hbm>>
    tpu.wait_dma2 semaphore(%arg10 : memref<!tpu.dma_semaphore, #tpu.memory_space<semaphore_mem>>) src(%dma_wait3A_29 : memref<4x128xi32, #tpu.memory_space<hbm>>) dst(%arg7 : memref<4x128xi32, #tpu.memory_space<vmem>>)
    %dma_wait3A_30 = arith.constant 0 : i32
    %dma_wait3A_31 = arith.constant 0 : i32
    %dma_wait3A_32 = tpu.memref_slice %arg3[%arg1, %dma_wait3A_30, %dma_wait3A_31] : memref<16x4x128xi32, #tpu.memory_space<hbm>> -> memref<1x4x128xi32, #tpu.memory_space<hbm>>
    %dma_wait3A_33 = tpu.memref_squeeze %dma_wait3A_32 : memref<1x4x128xi32, #tpu.memory_space<hbm>> -> memref<4x128xi32, #tpu.memory_space<hbm>>
    %dma_wait3A_34 = arith.constant 0 : i32
    %dma_wait3A_35 = arith.constant 0 : i32
    %dma_wait3A_36 = tpu.memref_slice %arg3[%arg1, %dma_wait3A_34, %dma_wait3A_35] : memref<16x4x128xi32, #tpu.memory_space<hbm>> -> memref<1x4x128xi32, #tpu.memory_space<hbm>>
    %dma_wait3A_37 = tpu.memref_squeeze %dma_wait3A_36 : memref<1x4x128xi32, #tpu.memory_space<hbm>> -> memref<4x128xi32, #tpu.memory_space<hbm>>
    tpu.wait_dma2 semaphore(%arg10 : memref<!tpu.dma_semaphore, #tpu.memory_space<semaphore_mem>>) src(%dma_wait3A_37 : memref<4x128xi32, #tpu.memory_space<hbm>>) dst(%arg8 : memref<4x128xi32, #tpu.memory_space<vmem>>)
    %dma_wait3A_38 = arith.constant 0 : i32
    %dma_wait3A_39 = arith.constant 0 : i32
    %dma_wait3A_40 = tpu.memref_slice %arg4[%arg1, %dma_wait3A_38, %dma_wait3A_39] : memref<16x4x128xf32, #tpu.memory_space<hbm>> -> memref<1x4x128xf32, #tpu.memory_space<hbm>>
    %dma_wait3A_41 = tpu.memref_squeeze %dma_wait3A_40 : memref<1x4x128xf32, #tpu.memory_space<hbm>> -> memref<4x128xf32, #tpu.memory_space<hbm>>
    %dma_wait3A_42 = arith.constant 0 : i32
    %dma_wait3A_43 = arith.constant 0 : i32
    %dma_wait3A_44 = tpu.memref_slice %arg4[%arg1, %dma_wait3A_42, %dma_wait3A_43] : memref<16x4x128xf32, #tpu.memory_space<hbm>> -> memref<1x4x128xf32, #tpu.memory_space<hbm>>
    %dma_wait3A_45 = tpu.memref_squeeze %dma_wait3A_44 : memref<1x4x128xf32, #tpu.memory_space<hbm>> -> memref<4x128xf32, #tpu.memory_space<hbm>>
    tpu.wait_dma2 semaphore(%arg10 : memref<!tpu.dma_semaphore, #tpu.memory_space<semaphore_mem>>) src(%dma_wait3A_45 : memref<4x128xf32, #tpu.memory_space<hbm>>) dst(%arg9 : memref<4x128xf32, #tpu.memory_space<vmem>>)
    %dma_start3A_46 = arith.constant 0 : i32
    %dma_start3A_47 = arith.constant 0 : i32
    %dma_start3A_48 = arith.constant 0 : i32
    %dma_start3A_49 = tpu.memref_slice %arg8[%dma_start3A_46, %dma_start3A_48] : memref<4x128xi32, #tpu.memory_space<vmem>> -> memref<1x128xi32, #tpu.memory_space<vmem>>
    %dma_start3A_50 = tpu.memref_squeeze %dma_start3A_49 : memref<1x128xi32, #tpu.memory_space<vmem>> -> memref<128xi32, #tpu.memory_space<vmem>>
    %dma_start3A_51 = arith.constant 0 : i32
    %dma_start3A_52 = tpu.memref_slice %arg7[%dma_start3A_47, %dma_start3A_51] : memref<4x128xi32, #tpu.memory_space<vmem>> -> memref<1x128xi32, #tpu.memory_space<vmem>>
    %dma_start3A_53 = tpu.memref_squeeze %dma_start3A_52 : memref<1x128xi32, #tpu.memory_space<vmem>> -> memref<128xi32, #tpu.memory_space<vmem>>
    %dma_start3A_54 = arith.constant 0 : i32
    %dma_start3A_55 = tpu.memref_slice %arg5[%dma_start3A_54] : memref<16384xi32, #tpu.memory_space<hbm>> -> memref<16384xi32, #tpu.memory_space<hbm>>
    tpu.enqueue_indirect_dma source(%dma_start3A_50 : memref<128xi32, #tpu.memory_space<vmem>>) target(%dma_start3A_55 : memref<16384xi32, #tpu.memory_space<hbm>>) offsets(%dma_start3A_53 : memref<128xi32, #tpu.memory_space<vmem>>) semaphore(%arg11 : memref<!tpu.dma_semaphore, #tpu.memory_space<semaphore_mem>>)
    %dma_start3A_56 = arith.constant 0 : i32
    %dma_start3A_57 = arith.constant 0 : i32
    %dma_start3A_58 = arith.constant 0 : i32
    %dma_start3A_59 = tpu.memref_slice %arg9[%dma_start3A_56, %dma_start3A_58] : memref<4x128xf32, #tpu.memory_space<vmem>> -> memref<1x128xf32, #tpu.memory_space<vmem>>
    %dma_start3A_60 = tpu.memref_squeeze %dma_start3A_59 : memref<1x128xf32, #tpu.memory_space<vmem>> -> memref<128xf32, #tpu.memory_space<vmem>>
    %dma_start3A_61 = arith.constant 0 : i32
    %dma_start3A_62 = tpu.memref_slice %arg7[%dma_start3A_57, %dma_start3A_61] : memref<4x128xi32, #tpu.memory_space<vmem>> -> memref<1x128xi32, #tpu.memory_space<vmem>>
    %dma_start3A_63 = tpu.memref_squeeze %dma_start3A_62 : memref<1x128xi32, #tpu.memory_space<vmem>> -> memref<128xi32, #tpu.memory_space<vmem>>
    %dma_start3A_64 = arith.constant 0 : i32
    %dma_start3A_65 = tpu.memref_slice %arg6[%dma_start3A_64] : memref<16384xf32, #tpu.memory_space<hbm>> -> memref<16384xf32, #tpu.memory_space<hbm>>
    tpu.enqueue_indirect_dma source(%dma_start3A_60 : memref<128xf32, #tpu.memory_space<vmem>>) target(%dma_start3A_65 : memref<16384xf32, #tpu.memory_space<hbm>>) offsets(%dma_start3A_63 : memref<128xi32, #tpu.memory_space<vmem>>) semaphore(%arg11 : memref<!tpu.dma_semaphore, #tpu.memory_space<semaphore_mem>>)
    %dma_start3A_66 = arith.constant 1 : i32
    %dma_start3A_67 = arith.constant 1 : i32
    %dma_start3A_68 = arith.constant 0 : i32
    %dma_start3A_69 = tpu.memref_slice %arg8[%dma_start3A_66, %dma_start3A_68] : memref<4x128xi32, #tpu.memory_space<vmem>> -> memref<1x128xi32, #tpu.memory_space<vmem>>
    %dma_start3A_70 = tpu.memref_squeeze %dma_start3A_69 : memref<1x128xi32, #tpu.memory_space<vmem>> -> memref<128xi32, #tpu.memory_space<vmem>>
    %dma_start3A_71 = arith.constant 0 : i32
    %dma_start3A_72 = tpu.memref_slice %arg7[%dma_start3A_67, %dma_start3A_71] : memref<4x128xi32, #tpu.memory_space<vmem>> -> memref<1x128xi32, #tpu.memory_space<vmem>>
    %dma_start3A_73 = tpu.memref_squeeze %dma_start3A_72 : memref<1x128xi32, #tpu.memory_space<vmem>> -> memref<128xi32, #tpu.memory_space<vmem>>
    %dma_start3A_74 = arith.constant 0 : i32
    %dma_start3A_75 = tpu.memref_slice %arg5[%dma_start3A_74] : memref<16384xi32, #tpu.memory_space<hbm>> -> memref<16384xi32, #tpu.memory_space<hbm>>
    tpu.enqueue_indirect_dma source(%dma_start3A_70 : memref<128xi32, #tpu.memory_space<vmem>>) target(%dma_start3A_75 : memref<16384xi32, #tpu.memory_space<hbm>>) offsets(%dma_start3A_73 : memref<128xi32, #tpu.memory_space<vmem>>) semaphore(%arg11 : memref<!tpu.dma_semaphore, #tpu.memory_space<semaphore_mem>>)
    %dma_start3A_76 = arith.constant 1 : i32
    %dma_start3A_77 = arith.constant 1 : i32
    %dma_start3A_78 = arith.constant 0 : i32
    %dma_start3A_79 = tpu.memref_slice %arg9[%dma_start3A_76, %dma_start3A_78] : memref<4x128xf32, #tpu.memory_space<vmem>> -> memref<1x128xf32, #tpu.memory_space<vmem>>
    %dma_start3A_80 = tpu.memref_squeeze %dma_start3A_79 : memref<1x128xf32, #tpu.memory_space<vmem>> -> memref<128xf32, #tpu.memory_space<vmem>>
    %dma_start3A_81 = arith.constant 0 : i32
    %dma_start3A_82 = tpu.memref_slice %arg7[%dma_start3A_77, %dma_start3A_81] : memref<4x128xi32, #tpu.memory_space<vmem>> -> memref<1x128xi32, #tpu.memory_space<vmem>>
    %dma_start3A_83 = tpu.memref_squeeze %dma_start3A_82 : memref<1x128xi32, #tpu.memory_space<vmem>> -> memref<128xi32, #tpu.memory_space<vmem>>
    %dma_start3A_84 = arith.constant 0 : i32
    %dma_start3A_85 = tpu.memref_slice %arg6[%dma_start3A_84] : memref<16384xf32, #tpu.memory_space<hbm>> -> memref<16384xf32, #tpu.memory_space<hbm>>
    tpu.enqueue_indirect_dma source(%dma_start3A_80 : memref<128xf32, #tpu.memory_space<vmem>>) target(%dma_start3A_85 : memref<16384xf32, #tpu.memory_space<hbm>>) offsets(%dma_start3A_83 : memref<128xi32, #tpu.memory_space<vmem>>) semaphore(%arg11 : memref<!tpu.dma_semaphore, #tpu.memory_space<semaphore_mem>>)
    %dma_start3A_86 = arith.constant 2 : i32
    %dma_start3A_87 = arith.constant 2 : i32
    %dma_start3A_88 = arith.constant 0 : i32
    %dma_start3A_89 = tpu.memref_slice %arg8[%dma_start3A_86, %dma_start3A_88] : memref<4x128xi32, #tpu.memory_space<vmem>> -> memref<1x128xi32, #tpu.memory_space<vmem>>
    %dma_start3A_90 = tpu.memref_squeeze %dma_start3A_89 : memref<1x128xi32, #tpu.memory_space<vmem>> -> memref<128xi32, #tpu.memory_space<vmem>>
    %dma_start3A_91 = arith.constant 0 : i32
    %dma_start3A_92 = tpu.memref_slice %arg7[%dma_start3A_87, %dma_start3A_91] : memref<4x128xi32, #tpu.memory_space<vmem>> -> memref<1x128xi32, #tpu.memory_space<vmem>>
    %dma_start3A_93 = tpu.memref_squeeze %dma_start3A_92 : memref<1x128xi32, #tpu.memory_space<vmem>> -> memref<128xi32, #tpu.memory_space<vmem>>
    %dma_start3A_94 = arith.constant 0 : i32
    %dma_start3A_95 = tpu.memref_slice %arg5[%dma_start3A_94] : memref<16384xi32, #tpu.memory_space<hbm>> -> memref<16384xi32, #tpu.memory_space<hbm>>
    tpu.enqueue_indirect_dma source(%dma_start3A_90 : memref<128xi32, #tpu.memory_space<vmem>>) target(%dma_start3A_95 : memref<16384xi32, #tpu.memory_space<hbm>>) offsets(%dma_start3A_93 : memref<128xi32, #tpu.memory_space<vmem>>) semaphore(%arg11 : memref<!tpu.dma_semaphore, #tpu.memory_space<semaphore_mem>>)
    %dma_start3A_96 = arith.constant 2 : i32
    %dma_start3A_97 = arith.constant 2 : i32
    %dma_start3A_98 = arith.constant 0 : i32
    %dma_start3A_99 = tpu.memref_slice %arg9[%dma_start3A_96, %dma_start3A_98] : memref<4x128xf32, #tpu.memory_space<vmem>> -> memref<1x128xf32, #tpu.memory_space<vmem>>
    %dma_start3A_100 = tpu.memref_squeeze %dma_start3A_99 : memref<1x128xf32, #tpu.memory_space<vmem>> -> memref<128xf32, #tpu.memory_space<vmem>>
    %dma_start3A_101 = arith.constant 0 : i32
    %dma_start3A_102 = tpu.memref_slice %arg7[%dma_start3A_97, %dma_start3A_101] : memref<4x128xi32, #tpu.memory_space<vmem>> -> memref<1x128xi32, #tpu.memory_space<vmem>>
    %dma_start3A_103 = tpu.memref_squeeze %dma_start3A_102 : memref<1x128xi32, #tpu.memory_space<vmem>> -> memref<128xi32, #tpu.memory_space<vmem>>
    %dma_start3A_104 = arith.constant 0 : i32
    %dma_start3A_105 = tpu.memref_slice %arg6[%dma_start3A_104] : memref<16384xf32, #tpu.memory_space<hbm>> -> memref<16384xf32, #tpu.memory_space<hbm>>
    tpu.enqueue_indirect_dma source(%dma_start3A_100 : memref<128xf32, #tpu.memory_space<vmem>>) target(%dma_start3A_105 : memref<16384xf32, #tpu.memory_space<hbm>>) offsets(%dma_start3A_103 : memref<128xi32, #tpu.memory_space<vmem>>) semaphore(%arg11 : memref<!tpu.dma_semaphore, #tpu.memory_space<semaphore_mem>>)
    %dma_start3A_106 = arith.constant 3 : i32
    %dma_start3A_107 = arith.constant 3 : i32
    %dma_start3A_108 = arith.constant 0 : i32
    %dma_start3A_109 = tpu.memref_slice %arg8[%dma_start3A_106, %dma_start3A_108] : memref<4x128xi32, #tpu.memory_space<vmem>> -> memref<1x128xi32, #tpu.memory_space<vmem>>
    %dma_start3A_110 = tpu.memref_squeeze %dma_start3A_109 : memref<1x128xi32, #tpu.memory_space<vmem>> -> memref<128xi32, #tpu.memory_space<vmem>>
    %dma_start3A_111 = arith.constant 0 : i32
    %dma_start3A_112 = tpu.memref_slice %arg7[%dma_start3A_107, %dma_start3A_111] : memref<4x128xi32, #tpu.memory_space<vmem>> -> memref<1x128xi32, #tpu.memory_space<vmem>>
    %dma_start3A_113 = tpu.memref_squeeze %dma_start3A_112 : memref<1x128xi32, #tpu.memory_space<vmem>> -> memref<128xi32, #tpu.memory_space<vmem>>
    %dma_start3A_114 = arith.constant 0 : i32
    %dma_start3A_115 = tpu.memref_slice %arg5[%dma_start3A_114] : memref<16384xi32, #tpu.memory_space<hbm>> -> memref<16384xi32, #tpu.memory_space<hbm>>
    tpu.enqueue_indirect_dma source(%dma_start3A_110 : memref<128xi32, #tpu.memory_space<vmem>>) target(%dma_start3A_115 : memref<16384xi32, #tpu.memory_space<hbm>>) offsets(%dma_start3A_113 : memref<128xi32, #tpu.memory_space<vmem>>) semaphore(%arg11 : memref<!tpu.dma_semaphore, #tpu.memory_space<semaphore_mem>>)
    %dma_start3A_116 = arith.constant 3 : i32
    %dma_start3A_117 = arith.constant 3 : i32
    %dma_start3A_118 = arith.constant 0 : i32
    %dma_start3A_119 = tpu.memref_slice %arg9[%dma_start3A_116, %dma_start3A_118] : memref<4x128xf32, #tpu.memory_space<vmem>> -> memref<1x128xf32, #tpu.memory_space<vmem>>
    %dma_start3A_120 = tpu.memref_squeeze %dma_start3A_119 : memref<1x128xf32, #tpu.memory_space<vmem>> -> memref<128xf32, #tpu.memory_space<vmem>>
    %dma_start3A_121 = arith.constant 0 : i32
    %dma_start3A_122 = tpu.memref_slice %arg7[%dma_start3A_117, %dma_start3A_121] : memref<4x128xi32, #tpu.memory_space<vmem>> -> memref<1x128xi32, #tpu.memory_space<vmem>>
    %dma_start3A_123 = tpu.memref_squeeze %dma_start3A_122 : memref<1x128xi32, #tpu.memory_space<vmem>> -> memref<128xi32, #tpu.memory_space<vmem>>
    %dma_start3A_124 = arith.constant 0 : i32
    %dma_start3A_125 = tpu.memref_slice %arg6[%dma_start3A_124] : memref<16384xf32, #tpu.memory_space<hbm>> -> memref<16384xf32, #tpu.memory_space<hbm>>
    tpu.enqueue_indirect_dma source(%dma_start3A_120 : memref<128xf32, #tpu.memory_space<vmem>>) target(%dma_start3A_125 : memref<16384xf32, #tpu.memory_space<hbm>>) offsets(%dma_start3A_123 : memref<128xi32, #tpu.memory_space<vmem>>) semaphore(%arg11 : memref<!tpu.dma_semaphore, #tpu.memory_space<semaphore_mem>>)
    %dma_wait3A_126 = arith.constant 0 : i32
    %dma_wait3A_127 = arith.constant 0 : i32
    %dma_wait3A_128 = arith.constant 0 : i32
    %dma_wait3A_129 = tpu.memref_slice %arg8[%dma_wait3A_126, %dma_wait3A_128] : memref<4x128xi32, #tpu.memory_space<vmem>> -> memref<1x128xi32, #tpu.memory_space<vmem>>
    %dma_wait3A_130 = tpu.memref_squeeze %dma_wait3A_129 : memref<1x128xi32, #tpu.memory_space<vmem>> -> memref<128xi32, #tpu.memory_space<vmem>>
    %dma_wait3A_131 = arith.constant 0 : i32
    %dma_wait3A_132 = tpu.memref_slice %arg7[%dma_wait3A_127, %dma_wait3A_131] : memref<4x128xi32, #tpu.memory_space<vmem>> -> memref<1x128xi32, #tpu.memory_space<vmem>>
    %dma_wait3A_133 = tpu.memref_squeeze %dma_wait3A_132 : memref<1x128xi32, #tpu.memory_space<vmem>> -> memref<128xi32, #tpu.memory_space<vmem>>
    %dma_wait3A_134 = arith.constant 0 : i32
    %dma_wait3A_135 = tpu.memref_slice %arg5[%dma_wait3A_134] : memref<16384xi32, #tpu.memory_space<hbm>> -> memref<16384xi32, #tpu.memory_space<hbm>>
    tpu.wait_indirect_dma semaphore(%arg11 : memref<!tpu.dma_semaphore, #tpu.memory_space<semaphore_mem>>) src(%dma_wait3A_130 : memref<128xi32, #tpu.memory_space<vmem>>) dst(%dma_wait3A_135 : memref<16384xi32, #tpu.memory_space<hbm>>)
    %dma_wait3A_136 = arith.constant 0 : i32
    %dma_wait3A_137 = arith.constant 0 : i32
    %dma_wait3A_138 = arith.constant 0 : i32
    %dma_wait3A_139 = tpu.memref_slice %arg9[%dma_wait3A_136, %dma_wait3A_138] : memref<4x128xf32, #tpu.memory_space<vmem>> -> memref<1x128xf32, #tpu.memory_space<vmem>>
    %dma_wait3A_140 = tpu.memref_squeeze %dma_wait3A_139 : memref<1x128xf32, #tpu.memory_space<vmem>> -> memref<128xf32, #tpu.memory_space<vmem>>
    %dma_wait3A_141 = arith.constant 0 : i32
    %dma_wait3A_142 = tpu.memref_slice %arg7[%dma_wait3A_137, %dma_wait3A_141] : memref<4x128xi32, #tpu.memory_space<vmem>> -> memref<1x128xi32, #tpu.memory_space<vmem>>
    %dma_wait3A_143 = tpu.memref_squeeze %dma_wait3A_142 : memref<1x128xi32, #tpu.memory_space<vmem>> -> memref<128xi32, #tpu.memory_space<vmem>>
    %dma_wait3A_144 = arith.constant 0 : i32
    %dma_wait3A_145 = tpu.memref_slice %arg6[%dma_wait3A_144] : memref<16384xf32, #tpu.memory_space<hbm>> -> memref<16384xf32, #tpu.memory_space<hbm>>
    tpu.wait_indirect_dma semaphore(%arg11 : memref<!tpu.dma_semaphore, #tpu.memory_space<semaphore_mem>>) src(%dma_wait3A_140 : memref<128xf32, #tpu.memory_space<vmem>>) dst(%dma_wait3A_145 : memref<16384xf32, #tpu.memory_space<hbm>>)
    %dma_wait3A_146 = arith.constant 1 : i32
    %dma_wait3A_147 = arith.constant 1 : i32
    %dma_wait3A_148 = arith.constant 0 : i32
    %dma_wait3A_149 = tpu.memref_slice %arg8[%dma_wait3A_146, %dma_wait3A_148] : memref<4x128xi32, #tpu.memory_space<vmem>> -> memref<1x128xi32, #tpu.memory_space<vmem>>
    %dma_wait3A_150 = tpu.memref_squeeze %dma_wait3A_149 : memref<1x128xi32, #tpu.memory_space<vmem>> -> memref<128xi32, #tpu.memory_space<vmem>>
    %dma_wait3A_151 = arith.constant 0 : i32
    %dma_wait3A_152 = tpu.memref_slice %arg7[%dma_wait3A_147, %dma_wait3A_151] : memref<4x128xi32, #tpu.memory_space<vmem>> -> memref<1x128xi32, #tpu.memory_space<vmem>>
    %dma_wait3A_153 = tpu.memref_squeeze %dma_wait3A_152 : memref<1x128xi32, #tpu.memory_space<vmem>> -> memref<128xi32, #tpu.memory_space<vmem>>
    %dma_wait3A_154 = arith.constant 0 : i32
    %dma_wait3A_155 = tpu.memref_slice %arg5[%dma_wait3A_154] : memref<16384xi32, #tpu.memory_space<hbm>> -> memref<16384xi32, #tpu.memory_space<hbm>>
    tpu.wait_indirect_dma semaphore(%arg11 : memref<!tpu.dma_semaphore, #tpu.memory_space<semaphore_mem>>) src(%dma_wait3A_150 : memref<128xi32, #tpu.memory_space<vmem>>) dst(%dma_wait3A_155 : memref<16384xi32, #tpu.memory_space<hbm>>)
    %dma_wait3A_156 = arith.constant 1 : i32
    %dma_wait3A_157 = arith.constant 1 : i32
    %dma_wait3A_158 = arith.constant 0 : i32
    %dma_wait3A_159 = tpu.memref_slice %arg9[%dma_wait3A_156, %dma_wait3A_158] : memref<4x128xf32, #tpu.memory_space<vmem>> -> memref<1x128xf32, #tpu.memory_space<vmem>>
    %dma_wait3A_160 = tpu.memref_squeeze %dma_wait3A_159 : memref<1x128xf32, #tpu.memory_space<vmem>> -> memref<128xf32, #tpu.memory_space<vmem>>
    %dma_wait3A_161 = arith.constant 0 : i32
    %dma_wait3A_162 = tpu.memref_slice %arg7[%dma_wait3A_157, %dma_wait3A_161] : memref<4x128xi32, #tpu.memory_space<vmem>> -> memref<1x128xi32, #tpu.memory_space<vmem>>
    %dma_wait3A_163 = tpu.memref_squeeze %dma_wait3A_162 : memref<1x128xi32, #tpu.memory_space<vmem>> -> memref<128xi32, #tpu.memory_space<vmem>>
    %dma_wait3A_164 = arith.constant 0 : i32
    %dma_wait3A_165 = tpu.memref_slice %arg6[%dma_wait3A_164] : memref<16384xf32, #tpu.memory_space<hbm>> -> memref<16384xf32, #tpu.memory_space<hbm>>
    tpu.wait_indirect_dma semaphore(%arg11 : memref<!tpu.dma_semaphore, #tpu.memory_space<semaphore_mem>>) src(%dma_wait3A_160 : memref<128xf32, #tpu.memory_space<vmem>>) dst(%dma_wait3A_165 : memref<16384xf32, #tpu.memory_space<hbm>>)
    %dma_wait3A_166 = arith.constant 2 : i32
    %dma_wait3A_167 = arith.constant 2 : i32
    %dma_wait3A_168 = arith.constant 0 : i32
    %dma_wait3A_169 = tpu.memref_slice %arg8[%dma_wait3A_166, %dma_wait3A_168] : memref<4x128xi32, #tpu.memory_space<vmem>> -> memref<1x128xi32, #tpu.memory_space<vmem>>
    %dma_wait3A_170 = tpu.memref_squeeze %dma_wait3A_169 : memref<1x128xi32, #tpu.memory_space<vmem>> -> memref<128xi32, #tpu.memory_space<vmem>>
    %dma_wait3A_171 = arith.constant 0 : i32
    %dma_wait3A_172 = tpu.memref_slice %arg7[%dma_wait3A_167, %dma_wait3A_171] : memref<4x128xi32, #tpu.memory_space<vmem>> -> memref<1x128xi32, #tpu.memory_space<vmem>>
    %dma_wait3A_173 = tpu.memref_squeeze %dma_wait3A_172 : memref<1x128xi32, #tpu.memory_space<vmem>> -> memref<128xi32, #tpu.memory_space<vmem>>
    %dma_wait3A_174 = arith.constant 0 : i32
    %dma_wait3A_175 = tpu.memref_slice %arg5[%dma_wait3A_174] : memref<16384xi32, #tpu.memory_space<hbm>> -> memref<16384xi32, #tpu.memory_space<hbm>>
    tpu.wait_indirect_dma semaphore(%arg11 : memref<!tpu.dma_semaphore, #tpu.memory_space<semaphore_mem>>) src(%dma_wait3A_170 : memref<128xi32, #tpu.memory_space<vmem>>) dst(%dma_wait3A_175 : memref<16384xi32, #tpu.memory_space<hbm>>)
    %dma_wait3A_176 = arith.constant 2 : i32
    %dma_wait3A_177 = arith.constant 2 : i32
    %dma_wait3A_178 = arith.constant 0 : i32
    %dma_wait3A_179 = tpu.memref_slice %arg9[%dma_wait3A_176, %dma_wait3A_178] : memref<4x128xf32, #tpu.memory_space<vmem>> -> memref<1x128xf32, #tpu.memory_space<vmem>>
    %dma_wait3A_180 = tpu.memref_squeeze %dma_wait3A_179 : memref<1x128xf32, #tpu.memory_space<vmem>> -> memref<128xf32, #tpu.memory_space<vmem>>
    %dma_wait3A_181 = arith.constant 0 : i32
    %dma_wait3A_182 = tpu.memref_slice %arg7[%dma_wait3A_177, %dma_wait3A_181] : memref<4x128xi32, #tpu.memory_space<vmem>> -> memref<1x128xi32, #tpu.memory_space<vmem>>
    %dma_wait3A_183 = tpu.memref_squeeze %dma_wait3A_182 : memref<1x128xi32, #tpu.memory_space<vmem>> -> memref<128xi32, #tpu.memory_space<vmem>>
    %dma_wait3A_184 = arith.constant 0 : i32
    %dma_wait3A_185 = tpu.memref_slice %arg6[%dma_wait3A_184] : memref<16384xf32, #tpu.memory_space<hbm>> -> memref<16384xf32, #tpu.memory_space<hbm>>
    tpu.wait_indirect_dma semaphore(%arg11 : memref<!tpu.dma_semaphore, #tpu.memory_space<semaphore_mem>>) src(%dma_wait3A_180 : memref<128xf32, #tpu.memory_space<vmem>>) dst(%dma_wait3A_185 : memref<16384xf32, #tpu.memory_space<hbm>>)
    %dma_wait3A_186 = arith.constant 3 : i32
    %dma_wait3A_187 = arith.constant 3 : i32
    %dma_wait3A_188 = arith.constant 0 : i32
    %dma_wait3A_189 = tpu.memref_slice %arg8[%dma_wait3A_186, %dma_wait3A_188] : memref<4x128xi32, #tpu.memory_space<vmem>> -> memref<1x128xi32, #tpu.memory_space<vmem>>
    %dma_wait3A_190 = tpu.memref_squeeze %dma_wait3A_189 : memref<1x128xi32, #tpu.memory_space<vmem>> -> memref<128xi32, #tpu.memory_space<vmem>>
    %dma_wait3A_191 = arith.constant 0 : i32
    %dma_wait3A_192 = tpu.memref_slice %arg7[%dma_wait3A_187, %dma_wait3A_191] : memref<4x128xi32, #tpu.memory_space<vmem>> -> memref<1x128xi32, #tpu.memory_space<vmem>>
    %dma_wait3A_193 = tpu.memref_squeeze %dma_wait3A_192 : memref<1x128xi32, #tpu.memory_space<vmem>> -> memref<128xi32, #tpu.memory_space<vmem>>
    %dma_wait3A_194 = arith.constant 0 : i32
    %dma_wait3A_195 = tpu.memref_slice %arg5[%dma_wait3A_194] : memref<16384xi32, #tpu.memory_space<hbm>> -> memref<16384xi32, #tpu.memory_space<hbm>>
    tpu.wait_indirect_dma semaphore(%arg11 : memref<!tpu.dma_semaphore, #tpu.memory_space<semaphore_mem>>) src(%dma_wait3A_190 : memref<128xi32, #tpu.memory_space<vmem>>) dst(%dma_wait3A_195 : memref<16384xi32, #tpu.memory_space<hbm>>)
    %dma_wait3A_196 = arith.constant 3 : i32
    %dma_wait3A_197 = arith.constant 3 : i32
    %dma_wait3A_198 = arith.constant 0 : i32
    %dma_wait3A_199 = tpu.memref_slice %arg9[%dma_wait3A_196, %dma_wait3A_198] : memref<4x128xf32, #tpu.memory_space<vmem>> -> memref<1x128xf32, #tpu.memory_space<vmem>>
    %dma_wait3A_200 = tpu.memref_squeeze %dma_wait3A_199 : memref<1x128xf32, #tpu.memory_space<vmem>> -> memref<128xf32, #tpu.memory_space<vmem>>
    %dma_wait3A_201 = arith.constant 0 : i32
    %dma_wait3A_202 = tpu.memref_slice %arg7[%dma_wait3A_197, %dma_wait3A_201] : memref<4x128xi32, #tpu.memory_space<vmem>> -> memref<1x128xi32, #tpu.memory_space<vmem>>
    %dma_wait3A_203 = tpu.memref_squeeze %dma_wait3A_202 : memref<1x128xi32, #tpu.memory_space<vmem>> -> memref<128xi32, #tpu.memory_space<vmem>>
    %dma_wait3A_204 = arith.constant 0 : i32
    %dma_wait3A_205 = tpu.memref_slice %arg6[%dma_wait3A_204] : memref<16384xf32, #tpu.memory_space<hbm>> -> memref<16384xf32, #tpu.memory_space<hbm>>
    tpu.wait_indirect_dma semaphore(%arg11 : memref<!tpu.dma_semaphore, #tpu.memory_space<semaphore_mem>>) src(%dma_wait3A_200 : memref<128xf32, #tpu.memory_space<vmem>>) dst(%dma_wait3A_205 : memref<16384xf32, #tpu.memory_space<hbm>>)
    return
  }
}

module attributes {stable_mosaic.version = 14 : i64} {
  func.func @_routing_body(%arg0: i32, %arg1: memref<512x768xf32, #tpu.memory_space<vmem>>, %arg2: memref<768x128xf32, #tpu.memory_space<vmem>>, %arg3: memref<1x128xf32, #tpu.memory_space<vmem>>, %arg4: memref<512x64xf32, #tpu.memory_space<vmem>>, %arg5: memref<512x2xi32, #tpu.memory_space<vmem>>, %arg6: memref<512x2xf32, #tpu.memory_space<vmem>>, %arg7: memref<1x64xf32, #tpu.memory_space<vmem>>, %arg8: memref<1x1xf32, #tpu.memory_space<vmem>>, %arg9: memref<1x64xf32, #tpu.memory_space<vmem>>, %arg10: memref<1x64xf32, #tpu.memory_space<vmem>>) attributes {dimension_semantics = [#tpu.dimension_semantics<arbitrary>], iteration_bounds = array<i64: 8>, scalar_prefetch = 0 : i64, scratch_operands = 2 : i64, tpu.core_type = #tpu.core_type<tc>, window_params = [{transform_indices = @transform_0, window_bounds = array<i64: 512, 768>}, {pipeline_mode = #tpu.pipeline_mode<synchronous>, transform_indices = @transform_1, window_bounds = array<i64: 768, 128>}, {pipeline_mode = #tpu.pipeline_mode<synchronous>, transform_indices = @transform_2, window_bounds = array<i64: 1, 128>}, {transform_indices = @transform_3, window_bounds = array<i64: 512, 64>}, {transform_indices = @transform_4, window_bounds = array<i64: 512, 2>}, {transform_indices = @transform_5, window_bounds = array<i64: 512, 2>}, {pipeline_mode = #tpu.pipeline_mode<synchronous>, transform_indices = @transform_6, window_bounds = array<i64: 1, 64>}, {pipeline_mode = #tpu.pipeline_mode<synchronous>, transform_indices = @transform_7, window_bounds = array<i64: 1, 1>}]} {
    %get3A = arith.constant 0 : index
    %get3A_0 = arith.constant 0 : index
    %get3A_1 = vector.load %arg1[%get3A, %get3A_0] : memref<512x768xf32, #tpu.memory_space<vmem>>, vector<512x768xf32>
    %get3A_2 = arith.constant 0 : index
    %get3A_3 = arith.constant 0 : index
    %get3A_4 = vector.load %arg2[%get3A_2, %get3A_3] : memref<768x128xf32, #tpu.memory_space<vmem>>, vector<768x128xf32>
    %dot_general3A = arith.constant dense<0.000000e+00> : vector<512x128xf32>
    %dot_general3A_5 = tpu.matmul %get3A_1, %get3A_4, %dot_general3A {dimension_numbers = #tpu.dot_dimension_numbers<[1], [0], [0], [1], [0, 0, 1, 1], [], []>, transpose_lhs_hint = false} : vector<512x768xf32>, vector<768x128xf32>, vector<512x128xf32> -> vector<512x128xf32>
    %get3A_6 = arith.constant 0 : index
    %get3A_7 = arith.constant 0 : index
    %get3A_8 = vector.load %arg3[%get3A_6, %get3A_7] : memref<1x128xf32, #tpu.memory_space<vmem>>, vector<1x128xf32>
    %add3A = vector.broadcast %get3A_8 : vector<1x128xf32> to vector<512x128xf32>
    %add3A_9 = arith.addf %dot_general3A_5, %add3A : vector<512x128xf32>
    %slice3A = vector.extract_strided_slice %add3A_9 {offsets = [0, 0], sizes = [512, 64], strides = [1, 1]} : vector<512x128xf32> to vector<512x64xf32>
    %slice3A_10 = vector.extract_strided_slice %add3A_9 {offsets = [0, 64], sizes = [512, 64], strides = [1, 1]} : vector<512x128xf32> to vector<512x64xf32>
    %max3A = arith.constant 0.000000e+00 : f32
    %max3A_11 = vector.broadcast %max3A : f32 to vector<512x64xf32>
    %max3A_12 = arith.maximumf %slice3A_10, %max3A_11 : vector<512x64xf32>
    %abs3A = math.absf %slice3A_10 : vector<512x64xf32>
    %neg3A = arith.constant 0.000000e+00 : f32
    %neg3A_13 = vector.broadcast %neg3A : f32 to vector<512x64xf32>
    %neg3A_14 = arith.subf %neg3A_13, %abs3A : vector<512x64xf32>
    %exp3A = math.exp %neg3A_14 : vector<512x64xf32>
    %log1p3A = math.log1p %exp3A : vector<512x64xf32>
    %add3A_15 = arith.addf %max3A_12, %log1p3A : vector<512x64xf32>
    %get3A_16 = arith.constant 0 : index
    %get3A_17 = arith.constant 0 : index
    %get3A_18 = vector.load %arg4[%get3A_16, %get3A_17] : memref<512x64xf32, #tpu.memory_space<vmem>>, vector<512x64xf32>
    %mul3A = arith.mulf %get3A_18, %add3A_15 : vector<512x64xf32>
    %add3A_19 = arith.addf %slice3A, %mul3A : vector<512x64xf32>
    %iota3A = tpu.iota {dimensions = array<i32: 1>} : vector<512x64xi32>
    %reduce_max3A = arith.constant dense<0xFF800000> : vector<512xf32>
    %reduce_max3A_20 = vector.multi_reduction <maximumf>, %add3A_19, %reduce_max3A [1] : vector<512x64xf32> to vector<512xf32>
    %broadcast_in_dim3A = vector.shape_cast %reduce_max3A_20 : vector<512xf32> to vector<512x1xf32>
    %eq3A = vector.broadcast %broadcast_in_dim3A : vector<512x1xf32> to vector<512x64xf32>
    %eq3A_21 = arith.cmpf oeq, %add3A_19, %eq3A : vector<512x64xf32>
    %jit3A = arith.constant 64 : i32
    %broadcast_in_dim3A_22 = vector.broadcast %jit3A : i32 to vector<512x64xi32>
    %select_n3A = arith.select %eq3A_21, %iota3A, %broadcast_in_dim3A_22 : vector<512x64xi1>, vector<512x64xi32>
    %reduce_min3A = arith.constant dense<2147483647> : vector<512xi32>
    %reduce_min3A_23 = vector.multi_reduction <minsi>, %select_n3A, %reduce_min3A [1] : vector<512x64xi32> to vector<512xi32>
    %broadcast_in_dim3A_24 = vector.shape_cast %reduce_min3A_23 : vector<512xi32> to vector<512x1xi32>
    %eq3A_25 = vector.broadcast %broadcast_in_dim3A_24 : vector<512x1xi32> to vector<512x64xi32>
    %eq3A_26 = arith.cmpi eq, %iota3A, %eq3A_25 : vector<512x64xi32>
    %jit3A_27 = arith.constant 0xFF800000 : f32
    %broadcast_in_dim3A_28 = vector.broadcast %jit3A_27 : f32 to vector<512x64xf32>
    %select_n3A_29 = arith.select %eq3A_26, %broadcast_in_dim3A_28, %add3A_19 : vector<512x64xi1>, vector<512x64xf32>
    %reduce_max3A_30 = arith.constant dense<0xFF800000> : vector<512xf32>
    %reduce_max3A_31 = vector.multi_reduction <maximumf>, %select_n3A_29, %reduce_max3A_30 [1] : vector<512x64xf32> to vector<512xf32>
    %broadcast_in_dim3A_32 = vector.shape_cast %reduce_max3A_31 : vector<512xf32> to vector<512x1xf32>
    %eq3A_33 = vector.broadcast %broadcast_in_dim3A_32 : vector<512x1xf32> to vector<512x64xf32>
    %eq3A_34 = arith.cmpf oeq, %select_n3A_29, %eq3A_33 : vector<512x64xf32>
    %jit3A_35 = arith.constant 64 : i32
    %broadcast_in_dim3A_36 = vector.broadcast %jit3A_35 : i32 to vector<512x64xi32>
    %select_n3A_37 = arith.select %eq3A_34, %iota3A, %broadcast_in_dim3A_36 : vector<512x64xi1>, vector<512x64xi32>
    %reduce_min3A_38 = arith.constant dense<2147483647> : vector<512xi32>
    %reduce_min3A_39 = vector.multi_reduction <minsi>, %select_n3A_37, %reduce_min3A_38 [1] : vector<512x64xi32> to vector<512xi32>
    %broadcast_in_dim3A_40 = vector.shape_cast %reduce_min3A_39 : vector<512xi32> to vector<512x1xi32>
    %eq3A_41 = vector.broadcast %broadcast_in_dim3A_40 : vector<512x1xi32> to vector<512x64xi32>
    %eq3A_42 = arith.cmpi eq, %iota3A, %eq3A_41 : vector<512x64xi32>
    %sub3A = arith.subf %broadcast_in_dim3A_32, %broadcast_in_dim3A : vector<512x1xf32>
    %exp3A_43 = math.exp %sub3A : vector<512x1xf32>
    %add3A_44 = arith.constant 1.000000e+00 : f32
    %add3A_45 = vector.broadcast %add3A_44 : f32 to vector<512x1xf32>
    %add3A_46 = arith.addf %add3A_45, %exp3A_43 : vector<512x1xf32>
    %div3A = arith.constant 1.000000e+00 : f32
    %div3A_47 = vector.broadcast %div3A : f32 to vector<512x1xf32>
    %div3A_48 = arith.divf %div3A_47, %add3A_46 : vector<512x1xf32>
    %add3A_49 = arith.constant 1.000000e+00 : f32
    %add3A_50 = vector.broadcast %add3A_49 : f32 to vector<512x1xf32>
    %add3A_51 = arith.addf %add3A_50, %exp3A_43 : vector<512x1xf32>
    %div3A_52 = arith.divf %exp3A_43, %add3A_51 : vector<512x1xf32>
    %convert_element_type3A = arith.extui %eq3A_26 : vector<512x64xi1> to vector<512x64xi32>
    %convert_element_type3A_53 = arith.sitofp %convert_element_type3A : vector<512x64xi32> to vector<512x64xf32>
    %convert_element_type3A_54 = arith.extui %eq3A_42 : vector<512x64xi1> to vector<512x64xi32>
    %convert_element_type3A_55 = arith.sitofp %convert_element_type3A_54 : vector<512x64xi32> to vector<512x64xf32>
    %eq3A_56 = arith.constant 0 : i32
    %eq3A_57 = arith.cmpi eq, %arg0, %eq3A_56 : i32
    %convert_element_type3A_58 = arith.extui %eq3A_57 : i1 to i32
    %cond3A = arith.constant 0 : i32
    %cond3A_59 = arith.cmpi ne, %convert_element_type3A_58, %cond3A : i32
    scf.if %cond3A_59 {
      %broadcast_in_dim3A_152 = arith.constant 0.000000e+00 : f32
      %broadcast_in_dim3A_153 = vector.broadcast %broadcast_in_dim3A_152 : f32 to vector<1x64xf32>
      %swap3A_154 = arith.constant 0 : index
      %swap3A_155 = arith.constant 0 : index
      %swap3A_156 = vector.load %arg9[%swap3A_154, %swap3A_155] : memref<1x64xf32, #tpu.memory_space<vmem>>, vector<1x64xf32>
      tpu.vector_store %arg9[%swap3A_154, %swap3A_155], %broadcast_in_dim3A_153 {strides = array<i32>} : memref<1x64xf32, #tpu.memory_space<vmem>>, vector<1x64xf32>,
      %broadcast_in_dim3A_157 = arith.constant 0.000000e+00 : f32
      %broadcast_in_dim3A_158 = vector.broadcast %broadcast_in_dim3A_157 : f32 to vector<1x64xf32>
      %swap3A_159 = arith.constant 0 : index
      %swap3A_160 = arith.constant 0 : index
      %swap3A_161 = vector.load %arg10[%swap3A_159, %swap3A_160] : memref<1x64xf32, #tpu.memory_space<vmem>>, vector<1x64xf32>
      tpu.vector_store %arg10[%swap3A_159, %swap3A_160], %broadcast_in_dim3A_158 {strides = array<i32>} : memref<1x64xf32, #tpu.memory_space<vmem>>, vector<1x64xf32>,
    } else {
    }
    %get3A_60 = arith.constant 0 : index
    %get3A_61 = arith.constant 0 : index
    %get3A_62 = vector.load %arg10[%get3A_60, %get3A_61] : memref<1x64xf32, #tpu.memory_space<vmem>>, vector<1x64xf32>
    %mul3A_63 = vector.broadcast %div3A_48 : vector<512x1xf32> to vector<512x64xf32>
    %mul3A_64 = arith.mulf %convert_element_type3A_53, %mul3A_63 : vector<512x64xf32>
    %mul3A_65 = vector.broadcast %div3A_52 : vector<512x1xf32> to vector<512x64xf32>
    %mul3A_66 = arith.mulf %convert_element_type3A_55, %mul3A_65 : vector<512x64xf32>
    %add3A_67 = arith.addf %mul3A_64, %mul3A_66 : vector<512x64xf32>
    %reduce_sum3A = arith.constant dense<0.000000e+00> : vector<64xf32>
    %reduce_sum3A_68 = vector.multi_reduction <add>, %add3A_67, %reduce_sum3A [0] : vector<512x64xf32> to vector<64xf32>
    %broadcast_in_dim3A_69 = vector.shape_cast %reduce_sum3A_68 : vector<64xf32> to vector<1x64xf32>
    %add3A_70 = arith.addf %get3A_62, %broadcast_in_dim3A_69 : vector<1x64xf32>
    %swap3A = arith.constant 0 : index
    %swap3A_71 = arith.constant 0 : index
    %swap3A_72 = vector.load %arg10[%swap3A, %swap3A_71] : memref<1x64xf32, #tpu.memory_space<vmem>>, vector<1x64xf32>
    tpu.vector_store %arg10[%swap3A, %swap3A_71], %add3A_70 {strides = array<i32>} : memref<1x64xf32, #tpu.memory_space<vmem>>, vector<1x64xf32>,
    %iota3A_73 = tpu.iota {dimensions = array<i32: 0>} : vector<512x512xi32>
    %iota3A_74 = tpu.iota {dimensions = array<i32: 1>} : vector<512x512xi32>
    %gt3A = arith.cmpi sgt, %iota3A_73, %iota3A_74 : vector<512x512xi32>
    %convert_element_type3A_75 = arith.extui %gt3A : vector<512x512xi1> to vector<512x512xi32>
    %convert_element_type3A_76 = arith.sitofp %convert_element_type3A_75 : vector<512x512xi32> to vector<512x512xf32>
    %add3A_77 = arith.addf %convert_element_type3A_53, %convert_element_type3A_55 : vector<512x64xf32>
    %dot_general3A_78 = arith.constant dense<0.000000e+00> : vector<512x64xf32>
    %dot_general3A_79 = tpu.matmul %convert_element_type3A_76, %add3A_77, %dot_general3A_78 {dimension_numbers = #tpu.dot_dimension_numbers<[1], [0], [0], [1], [0, 0, 1, 1], [], []>, transpose_lhs_hint = false} : vector<512x512xf32>, vector<512x64xf32>, vector<512x64xf32> -> vector<512x64xf32>
    %get3A_80 = arith.constant 0 : index
    %get3A_81 = arith.constant 0 : index
    %get3A_82 = vector.load %arg9[%get3A_80, %get3A_81] : memref<1x64xf32, #tpu.memory_space<vmem>>, vector<1x64xf32>
    %add3A_83 = vector.broadcast %get3A_82 : vector<1x64xf32> to vector<512x64xf32>
    %add3A_84 = arith.addf %dot_general3A_79, %add3A_83 : vector<512x64xf32>
    %mul3A_85 = arith.mulf %convert_element_type3A_53, %add3A_84 : vector<512x64xf32>
    %reduce_sum3A_86 = arith.constant dense<0.000000e+00> : vector<512xf32>
    %reduce_sum3A_87 = vector.multi_reduction <add>, %mul3A_85, %reduce_sum3A_86 [1] : vector<512x64xf32> to vector<512xf32>
    %broadcast_in_dim3A_88 = vector.shape_cast %reduce_sum3A_87 : vector<512xf32> to vector<512x1xf32>
    %mul3A_89 = arith.mulf %convert_element_type3A_55, %add3A_84 : vector<512x64xf32>
    %reduce_sum3A_90 = arith.constant dense<0.000000e+00> : vector<512xf32>
    %reduce_sum3A_91 = vector.multi_reduction <add>, %mul3A_89, %reduce_sum3A_90 [1] : vector<512x64xf32> to vector<512xf32>
    %broadcast_in_dim3A_92 = vector.shape_cast %reduce_sum3A_91 : vector<512xf32> to vector<512x1xf32>
    %get3A_93 = arith.constant 0 : index
    %get3A_94 = arith.constant 0 : index
    %get3A_95 = vector.load %arg9[%get3A_93, %get3A_94] : memref<1x64xf32, #tpu.memory_space<vmem>>, vector<1x64xf32>
    %reduce_sum3A_96 = arith.constant dense<0.000000e+00> : vector<64xf32>
    %reduce_sum3A_97 = vector.multi_reduction <add>, %add3A_77, %reduce_sum3A_96 [0] : vector<512x64xf32> to vector<64xf32>
    %broadcast_in_dim3A_98 = vector.shape_cast %reduce_sum3A_97 : vector<64xf32> to vector<1x64xf32>
    %add3A_99 = arith.addf %get3A_95, %broadcast_in_dim3A_98 : vector<1x64xf32>
    %swap3A_100 = arith.constant 0 : index
    %swap3A_101 = arith.constant 0 : index
    %swap3A_102 = vector.load %arg9[%swap3A_100, %swap3A_101] : memref<1x64xf32, #tpu.memory_space<vmem>>, vector<1x64xf32>
    tpu.vector_store %arg9[%swap3A_100, %swap3A_101], %add3A_99 {strides = array<i32>} : memref<1x64xf32, #tpu.memory_space<vmem>>, vector<1x64xf32>,
    %mul3A_103 = arith.constant 512 : i32
    %mul3A_104 = arith.muli %arg0, %mul3A_103 : i32
    %iota3A_105 = tpu.iota {dimensions = array<i32: 0>} : vector<512x1xi32>
    %add3A_106 = vector.broadcast %mul3A_104 : i32 to vector<512x1xi32>
    %add3A_107 = arith.addi %add3A_106, %iota3A_105 : vector<512x1xi32>
    %convert_element_type3A_108 = arith.fptosi %broadcast_in_dim3A_88 : vector<512x1xf32> to vector<512x1xi32>
    %convert_element_type3A_109 = arith.fptosi %broadcast_in_dim3A_92 : vector<512x1xf32> to vector<512x1xi32>
    %lt3A = arith.constant 128 : i32
    %lt3A_110 = vector.broadcast %lt3A : i32 to vector<512x1xi32>
    %lt3A_111 = arith.cmpi slt, %convert_element_type3A_108, %lt3A_110 : vector<512x1xi32>
    %mul3A_112 = arith.constant 128 : i32
    %mul3A_113 = vector.broadcast %mul3A_112 : i32 to vector<512x1xi32>
    %mul3A_114 = arith.muli %broadcast_in_dim3A_24, %mul3A_113 : vector<512x1xi32>
    %add3A_115 = arith.addi %mul3A_114, %convert_element_type3A_108 : vector<512x1xi32>
    %mul3A_116 = arith.constant 2 : i32
    %mul3A_117 = vector.broadcast %mul3A_116 : i32 to vector<512x1xi32>
    %mul3A_118 = arith.muli %mul3A_117, %add3A_107 : vector<512x1xi32>
    %add3A_119 = arith.constant 8192 : i32
    %add3A_120 = vector.broadcast %add3A_119 : i32 to vector<512x1xi32>
    %add3A_121 = arith.addi %add3A_120, %mul3A_118 : vector<512x1xi32>
    %select_n3A_122 = arith.select %lt3A_111, %add3A_115, %add3A_121 : vector<512x1xi1>, vector<512x1xi32>
    %lt3A_123 = arith.constant 128 : i32
    %lt3A_124 = vector.broadcast %lt3A_123 : i32 to vector<512x1xi32>
    %lt3A_125 = arith.cmpi slt, %convert_element_type3A_109, %lt3A_124 : vector<512x1xi32>
    %mul3A_126 = arith.constant 128 : i32
    %mul3A_127 = vector.broadcast %mul3A_126 : i32 to vector<512x1xi32>
    %mul3A_128 = arith.muli %broadcast_in_dim3A_40, %mul3A_127 : vector<512x1xi32>
    %add3A_129 = arith.addi %mul3A_128, %convert_element_type3A_109 : vector<512x1xi32>
    %mul3A_130 = arith.constant 2 : i32
    %mul3A_131 = vector.broadcast %mul3A_130 : i32 to vector<512x1xi32>
    %mul3A_132 = arith.muli %mul3A_131, %add3A_107 : vector<512x1xi32>
    %add3A_133 = arith.constant 8192 : i32
    %add3A_134 = vector.broadcast %add3A_133 : i32 to vector<512x1xi32>
    %add3A_135 = arith.addi %add3A_134, %mul3A_132 : vector<512x1xi32>
    %add3A_136 = arith.constant 1 : i32
    %add3A_137 = vector.broadcast %add3A_136 : i32 to vector<512x1xi32>
    %add3A_138 = arith.addi %add3A_135, %add3A_137 : vector<512x1xi32>
    %select_n3A_139 = arith.select %lt3A_125, %add3A_129, %add3A_138 : vector<512x1xi1>, vector<512x1xi32>
    %concatenate3A = tpu.concatenate %select_n3A_122, %select_n3A_139 in 1 : vector<512x1xi32>, vector<512x1xi32> -> vector<512x2xi32>
    %swap3A_140 = arith.constant 0 : index
    %swap3A_141 = arith.constant 0 : index
    %swap3A_142 = vector.load %arg5[%swap3A_140, %swap3A_141] : memref<512x2xi32, #tpu.memory_space<vmem>>, vector<512x2xi32>
    tpu.vector_store %arg5[%swap3A_140, %swap3A_141], %concatenate3A {strides = array<i32>} : memref<512x2xi32, #tpu.memory_space<vmem>>, vector<512x2xi32>,
    %concatenate3A_143 = tpu.concatenate %div3A_48, %div3A_52 in 1 : vector<512x1xf32>, vector<512x1xf32> -> vector<512x2xf32>
    %swap3A_144 = arith.constant 0 : index
    %swap3A_145 = arith.constant 0 : index
    %swap3A_146 = vector.load %arg6[%swap3A_144, %swap3A_145] : memref<512x2xf32, #tpu.memory_space<vmem>>, vector<512x2xf32>
    tpu.vector_store %arg6[%swap3A_144, %swap3A_145], %concatenate3A_143 {strides = array<i32>} : memref<512x2xf32, #tpu.memory_space<vmem>>, vector<512x2xf32>,
    %eq3A_147 = arith.constant 7 : i32
    %eq3A_148 = arith.cmpi eq, %arg0, %eq3A_147 : i32
    %convert_element_type3A_149 = arith.extui %eq3A_148 : i1 to i32
    %cond3A_150 = arith.constant 0 : i32
    %cond3A_151 = arith.cmpi ne, %convert_element_type3A_149, %cond3A_150 : i32
    scf.if %cond3A_151 {
      %get3A_152 = arith.constant 0 : index
      %get3A_153 = arith.constant 0 : index
      %get3A_154 = vector.load %arg9[%get3A_152, %get3A_153] : memref<1x64xf32, #tpu.memory_space<vmem>>, vector<1x64xf32>
      %swap3A_155 = arith.constant 0 : index
      %swap3A_156 = arith.constant 0 : index
      %swap3A_157 = vector.load %arg7[%swap3A_155, %swap3A_156] : memref<1x64xf32, #tpu.memory_space<vmem>>, vector<1x64xf32>
      tpu.vector_store %arg7[%swap3A_155, %swap3A_156], %get3A_154 {strides = array<i32>} : memref<1x64xf32, #tpu.memory_space<vmem>>, vector<1x64xf32>,
      %get3A_158 = arith.constant 0 : index
      %get3A_159 = arith.constant 0 : index
      %get3A_160 = vector.load %arg10[%get3A_158, %get3A_159] : memref<1x64xf32, #tpu.memory_space<vmem>>, vector<1x64xf32>
      %mul3A_161 = arith.constant 2.44140625E-4 : f32
      %mul3A_162 = vector.broadcast %mul3A_161 : f32 to vector<1x64xf32>
      %mul3A_163 = arith.mulf %get3A_160, %mul3A_162 : vector<1x64xf32>
      %sub3A_164 = arith.constant 1.562500e-02 : f32
      %sub3A_165 = vector.broadcast %sub3A_164 : f32 to vector<1x64xf32>
      %sub3A_166 = arith.subf %mul3A_163, %sub3A_165 : vector<1x64xf32>
      %mul3A_167 = arith.mulf %sub3A_166, %sub3A_166 : vector<1x64xf32>
      %reduce_sum3A_168 = arith.constant dense<0.000000e+00> : vector<1xf32>
      %reduce_sum3A_169 = vector.multi_reduction <add>, %mul3A_167, %reduce_sum3A_168 [1] : vector<1x64xf32> to vector<1xf32>
      %broadcast_in_dim3A_170 = vector.shape_cast %reduce_sum3A_169 : vector<1xf32> to vector<1x1xf32>
      %mul3A_171 = arith.constant 0.00999999977 : f32
      %mul3A_172 = vector.broadcast %mul3A_171 : f32 to vector<1x1xf32>
      %mul3A_173 = arith.mulf %mul3A_172, %broadcast_in_dim3A_170 : vector<1x1xf32>
      %div3A_174 = arith.constant 6.400000e+01 : f32
      %div3A_175 = vector.broadcast %div3A_174 : f32 to vector<1x1xf32>
      %div3A_176 = arith.divf %mul3A_173, %div3A_175 : vector<1x1xf32>
      %swap3A_177 = arith.constant 0 : index
      %swap3A_178 = arith.constant 0 : index
      %swap3A_179 = vector.load %arg8[%swap3A_177, %swap3A_178] : memref<1x1xf32, #tpu.memory_space<vmem>>, vector<1x1xf32>
      tpu.vector_store %arg8[%swap3A_177, %swap3A_178], %div3A_176 {strides = array<i32>} : memref<1x1xf32, #tpu.memory_space<vmem>>, vector<1x1xf32>,
    } else {
    }
    return
  }
  func.func @transform_0(%arg0: i32) -> (i32, i32) {
    %c0_i32 = arith.constant 0 : i32
    %c0_i32_0 = arith.constant 0 : i32
    return %arg0, %c0_i32 : i32, i32
  }
  func.func @transform_1(%arg0: i32) -> (i32, i32) {
    %c0_i32 = arith.constant 0 : i32
    %c0_i32_0 = arith.constant 0 : i32
    %c0_i32_1 = arith.constant 0 : i32
    return %c0_i32, %c0_i32_0 : i32, i32
  }
  func.func @transform_2(%arg0: i32) -> (i32, i32) {
    %c0_i32 = arith.constant 0 : i32
    %c0_i32_0 = arith.constant 0 : i32
    %c0_i32_1 = arith.constant 0 : i32
    return %c0_i32, %c0_i32_0 : i32, i32
  }
  func.func @transform_3(%arg0: i32) -> (i32, i32) {
    %c0_i32 = arith.constant 0 : i32
    %c0_i32_0 = arith.constant 0 : i32
    return %arg0, %c0_i32 : i32, i32
  }
  func.func @transform_4(%arg0: i32) -> (i32, i32) {
    %c0_i32 = arith.constant 0 : i32
    %c0_i32_0 = arith.constant 0 : i32
    return %arg0, %c0_i32 : i32, i32
  }
  func.func @transform_5(%arg0: i32) -> (i32, i32) {
    %c0_i32 = arith.constant 0 : i32
    %c0_i32_0 = arith.constant 0 : i32
    return %arg0, %c0_i32 : i32, i32
  }
  func.func @transform_6(%arg0: i32) -> (i32, i32) {
    %c0_i32 = arith.constant 0 : i32
    %c0_i32_0 = arith.constant 0 : i32
    %c0_i32_1 = arith.constant 0 : i32
    return %c0_i32, %c0_i32_0 : i32, i32
  }
  func.func @transform_7(%arg0: i32) -> (i32, i32) {
    %c0_i32 = arith.constant 0 : i32
    %c0_i32_0 = arith.constant 0 : i32
    %c0_i32_1 = arith.constant 0 : i32
    return %c0_i32, %c0_i32_0 : i32, i32
  }
}

module attributes {stable_mosaic.version = 14 : i64} {
  func.func @_ffn_body(%arg0: i32, %arg1: i32, %arg2: memref<8192xi32, #tpu.memory_space<smem>>, %arg3: memref<8192xf32, #tpu.memory_space<smem>>, %arg4: memref<64xi32, #tpu.memory_space<smem>>, %arg5: memref<4096x768xf32, #tpu.memory_space<vmem>>, %arg6: memref<1x768x1536xf32, #tpu.memory_space<vmem>>, %arg7: memref<1x1x1536xf32, #tpu.memory_space<vmem>>, %arg8: memref<1x1536x768xf32, #tpu.memory_space<vmem>>, %arg9: memref<1x1x768xf32, #tpu.memory_space<vmem>>, %arg10: memref<4096x768xf32, #tpu.memory_space<vmem>>, %arg11: memref<128x768xf32, #tpu.memory_space<vmem>>, %arg12: memref<128x768xf32, #tpu.memory_space<vmem>>) attributes {dimension_semantics = [#tpu.dimension_semantics<arbitrary>, #tpu.dimension_semantics<arbitrary>], iteration_bounds = array<i64: 64, 2>, scalar_prefetch = 3 : i64, scratch_operands = 2 : i64, tpu.core_type = #tpu.core_type<tc>, window_params = [{pipeline_mode = #tpu.pipeline_mode<synchronous>, transform_indices = @transform_0, window_bounds = array<i64: 4096, 768>}, {transform_indices = @transform_1, window_bounds = array<i64: 1, 768, 1536>}, {transform_indices = @transform_2, window_bounds = array<i64: 1, 1, 1536>}, {transform_indices = @transform_3, window_bounds = array<i64: 1, 1536, 768>}, {transform_indices = @transform_4, window_bounds = array<i64: 1, 1, 768>}, {pipeline_mode = #tpu.pipeline_mode<synchronous>, transform_indices = @transform_5, window_bounds = array<i64: 4096, 768>}]} {
    %eq3A = arith.constant 0 : i32
    %eq3A_0 = arith.cmpi eq, %arg0, %eq3A : i32
    %eq3A_1 = arith.constant 0 : i32
    %eq3A_2 = arith.cmpi eq, %arg1, %eq3A_1 : i32
    %and3A = arith.andi %eq3A_0, %eq3A_2 : i1
    %convert_element_type3A = arith.extui %and3A : i1 to i32
    %cond3A = arith.constant 0 : i32
    %cond3A_3 = arith.cmpi ne, %convert_element_type3A, %cond3A : i32
    scf.if %cond3A_3 {
      %broadcast_in_dim3A_42 = arith.constant 0.000000e+00 : f32
      %broadcast_in_dim3A_43 = vector.broadcast %broadcast_in_dim3A_42 : f32 to vector<4096x768xf32>
      %swap3A = arith.constant 0 : index
      %swap3A_44 = arith.constant 0 : index
      %swap3A_45 = vector.load %arg10[%swap3A, %swap3A_44] : memref<4096x768xf32, #tpu.memory_space<vmem>>, vector<4096x768xf32>
      tpu.vector_store %arg10[%swap3A, %swap3A_44], %broadcast_in_dim3A_43 {strides = array<i32>} : memref<4096x768xf32, #tpu.memory_space<vmem>>, vector<4096x768xf32>,
    } else {
    }
    %eq3A_4 = arith.constant 0 : i32
    %eq3A_5 = arith.cmpi eq, %arg1, %eq3A_4 : i32
    %convert_element_type3A_6 = arith.extui %eq3A_5 : i1 to i32
    %cond3A_7 = arith.constant 0 : i32
    %cond3A_8 = arith.cmpi ne, %convert_element_type3A_6, %cond3A_7 : i32
    scf.if %cond3A_8 {
      %scan3A = arith.constant 0 : i32
      %scan3A_42 = arith.constant 128 : i32
      %scan3A_43 = arith.addi %scan3A, %scan3A_42 : i32
      %scan3A_44 = arith.constant 1 : i32
      scf.for %scan3A_46 = %scan3A to %scan3A_43 step %scan3A_44  : i32 {
        %mul3A = arith.constant 128 : i32
        %mul3A_47 = arith.muli %arg0, %mul3A : i32
        %add3A_48 = arith.addi %mul3A_47, %scan3A_46 : i32
        %get3A_49 = arith.index_cast %add3A_48 : i32 to index
        %get3A_50 = memref.load %arg2[%get3A_49] : memref<8192xi32, #tpu.memory_space<smem>>
        %jit3A = arith.constant 0 : i32
        %jit3A_51 = arith.constant 4095 : i32
        %max3A_52 = arith.maxsi %jit3A, %get3A_50 : i32
        %min3A = arith.minsi %jit3A_51, %max3A_52 : i32
        %get3A_53 = arith.index_cast %min3A : i32 to index
        %get3A_54 = arith.constant 0 : index
        %get3A_55 = vector.load %arg5[%get3A_53, %get3A_54] : memref<4096x768xf32, #tpu.memory_space<vmem>>, vector<1x768xf32>
        %swap3A = arith.index_cast %scan3A_46 : i32 to index
        %swap3A_56 = arith.constant 0 : index
        %swap3A_57 = vector.load %arg11[%swap3A, %swap3A_56] : memref<128x768xf32, #tpu.memory_space<vmem>>, vector<1x768xf32>
        tpu.vector_store %arg11[%swap3A, %swap3A_56], %get3A_55 {strides = array<i32>} : memref<128x768xf32, #tpu.memory_space<vmem>>, vector<1x768xf32>,
      }
      %scan3A_45 = arith.constant 128 : i32
    } else {
    }
    %get3A = arith.constant 0 : index
    %get3A_9 = arith.constant 0 : index
    %get3A_10 = vector.load %arg11[%get3A, %get3A_9] : memref<128x768xf32, #tpu.memory_space<vmem>>, vector<128x768xf32>
    %get3A_11 = arith.constant 0 : index
    %get3A_12 = arith.constant 0 : index
    %get3A_13 = arith.constant 0 : index
    %get3A_14 = vector.load %arg6[%get3A_11, %get3A_12, %get3A_13] : memref<1x768x1536xf32, #tpu.memory_space<vmem>>, vector<1x768x1536xf32>
    %get3A_15 = vector.shape_cast %get3A_14 : vector<1x768x1536xf32> to vector<768x1536xf32>
    %dot_general3A = arith.constant dense<0.000000e+00> : vector<128x1536xf32>
    %dot_general3A_16 = tpu.matmul %get3A_10, %get3A_15, %dot_general3A {dimension_numbers = #tpu.dot_dimension_numbers<[1], [0], [0], [1], [0, 0, 1, 1], [], []>, transpose_lhs_hint = false} : vector<128x768xf32>, vector<768x1536xf32>, vector<128x1536xf32> -> vector<128x1536xf32>
    %get3A_17 = arith.constant 0 : index
    %get3A_18 = arith.constant 0 : index
    %get3A_19 = arith.constant 0 : index
    %get3A_20 = vector.load %arg7[%get3A_17, %get3A_18, %get3A_19] : memref<1x1x1536xf32, #tpu.memory_space<vmem>>, vector<1x1x1536xf32>
    %get3A_21 = vector.shape_cast %get3A_20 : vector<1x1x1536xf32> to vector<1536xf32>
    %broadcast_in_dim3A = vector.shape_cast %get3A_21 : vector<1536xf32> to vector<1x1536xf32>
    %add3A = vector.broadcast %broadcast_in_dim3A : vector<1x1536xf32> to vector<128x1536xf32>
    %add3A_22 = arith.addf %dot_general3A_16, %add3A : vector<128x1536xf32>
    %max3A = arith.constant 0.000000e+00 : f32
    %max3A_23 = vector.broadcast %max3A : f32 to vector<128x1536xf32>
    %max3A_24 = arith.maximumf %add3A_22, %max3A_23 : vector<128x1536xf32>
    %get3A_25 = arith.constant 0 : index
    %get3A_26 = arith.constant 0 : index
    %get3A_27 = arith.constant 0 : index
    %get3A_28 = vector.load %arg8[%get3A_25, %get3A_26, %get3A_27] : memref<1x1536x768xf32, #tpu.memory_space<vmem>>, vector<1x1536x768xf32>
    %get3A_29 = vector.shape_cast %get3A_28 : vector<1x1536x768xf32> to vector<1536x768xf32>
    %dot_general3A_30 = arith.constant dense<0.000000e+00> : vector<128x768xf32>
    %dot_general3A_31 = tpu.matmul %max3A_24, %get3A_29, %dot_general3A_30 {dimension_numbers = #tpu.dot_dimension_numbers<[1], [0], [0], [1], [0, 0, 1, 1], [], []>, transpose_lhs_hint = false} : vector<128x1536xf32>, vector<1536x768xf32>, vector<128x768xf32> -> vector<128x768xf32>
    %eq3A_32 = arith.constant 0 : i32
    %eq3A_33 = arith.cmpi eq, %arg1, %eq3A_32 : i32
    %convert_element_type3A_34 = arith.extui %eq3A_33 : i1 to i32
    %cond3A_35 = arith.constant 0 : i32
    %cond3A_36 = arith.cmpi ne, %convert_element_type3A_34, %cond3A_35 : i32
    scf.if %cond3A_36 {
      %swap3A = arith.constant 0 : index
      %swap3A_42 = arith.constant 0 : index
      %swap3A_43 = vector.load %arg12[%swap3A, %swap3A_42] : memref<128x768xf32, #tpu.memory_space<vmem>>, vector<128x768xf32>
      tpu.vector_store %arg12[%swap3A, %swap3A_42], %dot_general3A_31 {strides = array<i32>} : memref<128x768xf32, #tpu.memory_space<vmem>>, vector<128x768xf32>,
    } else {
    }
    %eq3A_37 = arith.constant 1 : i32
    %eq3A_38 = arith.cmpi eq, %arg1, %eq3A_37 : i32
    %convert_element_type3A_39 = arith.extui %eq3A_38 : i1 to i32
    %cond3A_40 = arith.constant 0 : i32
    %cond3A_41 = arith.cmpi ne, %convert_element_type3A_39, %cond3A_40 : i32
    scf.if %cond3A_41 {
      %get3A_42 = arith.constant 0 : index
      %get3A_43 = arith.constant 0 : index
      %get3A_44 = vector.load %arg12[%get3A_42, %get3A_43] : memref<128x768xf32, #tpu.memory_space<vmem>>, vector<128x768xf32>
      %get3A_45 = arith.constant 0 : index
      %get3A_46 = arith.constant 0 : index
      %get3A_47 = arith.constant 0 : index
      %get3A_48 = vector.load %arg9[%get3A_45, %get3A_46, %get3A_47] : memref<1x1x768xf32, #tpu.memory_space<vmem>>, vector<1x1x768xf32>
      %get3A_49 = vector.shape_cast %get3A_48 : vector<1x1x768xf32> to vector<768xf32>
      %broadcast_in_dim3A_50 = vector.shape_cast %get3A_49 : vector<768xf32> to vector<1x768xf32>
      %add3A_51 = vector.broadcast %broadcast_in_dim3A_50 : vector<1x768xf32> to vector<128x768xf32>
      %add3A_52 = arith.addf %dot_general3A_31, %add3A_51 : vector<128x768xf32>
      %add3A_53 = arith.addf %get3A_44, %add3A_52 : vector<128x768xf32>
      %swap3A = arith.constant 0 : index
      %swap3A_54 = arith.constant 0 : index
      %swap3A_55 = vector.load %arg12[%swap3A, %swap3A_54] : memref<128x768xf32, #tpu.memory_space<vmem>>, vector<128x768xf32>
      tpu.vector_store %arg12[%swap3A, %swap3A_54], %add3A_53 {strides = array<i32>} : memref<128x768xf32, #tpu.memory_space<vmem>>, vector<128x768xf32>,
      %get3A_56 = arith.index_cast %arg0 : i32 to index
      %get3A_57 = memref.load %arg4[%get3A_56] : memref<64xi32, #tpu.memory_space<smem>>
      %scan3A = arith.constant 0 : i32
      %scan3A_58 = arith.constant 128 : i32
      %scan3A_59 = arith.addi %scan3A, %scan3A_58 : i32
      %scan3A_60 = arith.constant 1 : i32
      scf.for %scan3A_62 = %scan3A to %scan3A_59 step %scan3A_60  : i32 {
        %lt3A = arith.cmpi slt, %scan3A_62, %get3A_57 : i32
        %mul3A = arith.constant 128 : i32
        %mul3A_63 = arith.muli %arg0, %mul3A : i32
        %add3A_64 = arith.addi %mul3A_63, %scan3A_62 : i32
        %get3A_65 = arith.index_cast %add3A_64 : i32 to index
        %get3A_66 = memref.load %arg3[%get3A_65] : memref<8192xf32, #tpu.memory_space<smem>>
        %jit3A = arith.constant 0.000000e+00 : f32
        %select_n3A = arith.select %lt3A, %get3A_66, %jit3A : f32
        %mul3A_67 = arith.constant 128 : i32
        %mul3A_68 = arith.muli %arg0, %mul3A_67 : i32
        %add3A_69 = arith.addi %mul3A_68, %scan3A_62 : i32
        %get3A_70 = arith.index_cast %add3A_69 : i32 to index
        %get3A_71 = memref.load %arg2[%get3A_70] : memref<8192xi32, #tpu.memory_space<smem>>
        %jit3A_72 = arith.constant 0 : i32
        %jit3A_73 = arith.constant 4095 : i32
        %max3A_74 = arith.maxsi %jit3A_72, %get3A_71 : i32
        %min3A = arith.minsi %jit3A_73, %max3A_74 : i32
        %get3A_75 = arith.index_cast %min3A : i32 to index
        %get3A_76 = arith.constant 0 : index
        %get3A_77 = vector.load %arg10[%get3A_75, %get3A_76] : memref<4096x768xf32, #tpu.memory_space<vmem>>, vector<1x768xf32>
        %get3A_78 = arith.index_cast %scan3A_62 : i32 to index
        %get3A_79 = arith.constant 0 : index
        %get3A_80 = vector.load %arg12[%get3A_78, %get3A_79] : memref<128x768xf32, #tpu.memory_space<vmem>>, vector<1x768xf32>
        %mul3A_81 = vector.broadcast %select_n3A : f32 to vector<1x768xf32>
        %mul3A_82 = arith.mulf %get3A_80, %mul3A_81 : vector<1x768xf32>
        %add3A_83 = arith.addf %get3A_77, %mul3A_82 : vector<1x768xf32>
        %swap3A_84 = arith.index_cast %min3A : i32 to index
        %swap3A_85 = arith.constant 0 : index
        %swap3A_86 = vector.load %arg10[%swap3A_84, %swap3A_85] : memref<4096x768xf32, #tpu.memory_space<vmem>>, vector<1x768xf32>
        tpu.vector_store %arg10[%swap3A_84, %swap3A_85], %add3A_83 {strides = array<i32>} : memref<4096x768xf32, #tpu.memory_space<vmem>>, vector<1x768xf32>,
      }
      %scan3A_61 = arith.constant 128 : i32
    } else {
    }
    return
  }
  func.func @transform_0(%arg0: i32, %arg1: i32, %arg2: memref<8192xi32, #tpu.memory_space<smem>>, %arg3: memref<8192xf32, #tpu.memory_space<smem>>, %arg4: memref<64xi32, #tpu.memory_space<smem>>) -> (i32, i32) {
    %c0_i32 = arith.constant 0 : i32
    %c0_i32_0 = arith.constant 0 : i32
    %c0_i32_1 = arith.constant 0 : i32
    return %c0_i32, %c0_i32_0 : i32, i32
  }
  func.func @transform_1(%arg0: i32, %arg1: i32, %arg2: memref<8192xi32, #tpu.memory_space<smem>>, %arg3: memref<8192xf32, #tpu.memory_space<smem>>, %arg4: memref<64xi32, #tpu.memory_space<smem>>) -> (i32, i32, i32) {
    %c0_i32 = arith.constant 0 : i32
    %c0_i32_0 = arith.constant 0 : i32
    return %arg0, %c0_i32, %arg1 : i32, i32, i32
  }
  func.func @transform_2(%arg0: i32, %arg1: i32, %arg2: memref<8192xi32, #tpu.memory_space<smem>>, %arg3: memref<8192xf32, #tpu.memory_space<smem>>, %arg4: memref<64xi32, #tpu.memory_space<smem>>) -> (i32, i32, i32) {
    %c0_i32 = arith.constant 0 : i32
    %c0_i32_0 = arith.constant 0 : i32
    return %arg0, %c0_i32, %arg1 : i32, i32, i32
  }
  func.func @transform_3(%arg0: i32, %arg1: i32, %arg2: memref<8192xi32, #tpu.memory_space<smem>>, %arg3: memref<8192xf32, #tpu.memory_space<smem>>, %arg4: memref<64xi32, #tpu.memory_space<smem>>) -> (i32, i32, i32) {
    %c0_i32 = arith.constant 0 : i32
    %c0_i32_0 = arith.constant 0 : i32
    return %arg0, %arg1, %c0_i32 : i32, i32, i32
  }
  func.func @transform_4(%arg0: i32, %arg1: i32, %arg2: memref<8192xi32, #tpu.memory_space<smem>>, %arg3: memref<8192xf32, #tpu.memory_space<smem>>, %arg4: memref<64xi32, #tpu.memory_space<smem>>) -> (i32, i32, i32) {
    %c0_i32 = arith.constant 0 : i32
    %c0_i32_0 = arith.constant 0 : i32
    %c0_i32_1 = arith.constant 0 : i32
    return %arg0, %c0_i32, %c0_i32_0 : i32, i32, i32
  }
  func.func @transform_5(%arg0: i32, %arg1: i32, %arg2: memref<8192xi32, #tpu.memory_space<smem>>, %arg3: memref<8192xf32, #tpu.memory_space<smem>>, %arg4: memref<64xi32, #tpu.memory_space<smem>>) -> (i32, i32) {
    %c0_i32 = arith.constant 0 : i32
    %c0_i32_0 = arith.constant 0 : i32
    %c0_i32_1 = arith.constant 0 : i32
    return %c0_i32, %c0_i32_0 : i32, i32
  }
}

</mosaic_0001>

<sc_bundles>
// kernel: kernel.5.cloned.1.call-start
scs
__scs_entry_jumppad:
0x0: {  	(pc) =	sbr.rel $0x88, $3  }
0x1: {  	(tag) =	ssettag $0x0;
	lr =	simm.s32 $0x1  }
0x2: {  	[smem:$0x3F98] =	sst lr;
	_ =	strace $0xD0000000  }
0x3: {  	_ = 	snop  }
0x4: {  	_ = 	snop  }
0x5: {  	_ = 	snop  }
0x6: {  	_ = 	snop  }
0x7: {  	_ = 	snop  }
__scs_overlays_trampoline_lowered:
0x8: {  	[smem:$0x3FA7] =	sst s0  }
0x9: {  	[smem:$0x3FA8] =	sst s1  }
0xa: {  	[smem:$0x3FA9] =	sst s2  }
0xb: {  	[smem:$0x3FAA] =	sst s3  }
0xc: {  	[smem:$0x3FAB] =	sst s4  }
0xd: {  	[smem:$0x3FAC] =	sst s5  }
0xe: {  	[smem:$0x3FAD] =	sst s6  }
0xf: {  	[smem:$0x3FAE] =	sst s7  }
0x10: {  	[smem:$0x3FAF] =	sst s8  }
0x11: {  	[smem:$0x3FB0] =	sst s9;
	s0 =	simm.s32 @!p0 $0x0  }
0x12: {  	s1 =	sld [smem:$0x3F96];
	s0 =	simm.s32 @p0 $0x1  }
0x13: {  	[smem:$0x3FB1] =	sst s0;
	s0 =	simm.s32 @!p1 $0x0  }
0x14: {  	s2 =	sld [smem:$0x3F95];
	s0 =	simm.s32 @p1 $0x1  }
0x15: {  	[smem:$0x3FB2] =	sst s0;
	s0 =	simm.s32 @!p2 $0x0  }
0x16: {  	s3 =	sld [smem:$0x3FDB];
	s0 =	simm.s32 @p2 $0x1  }
0x17: {  	s4 =	simm.s32 $0x1BF5;
	[smem:$0x3FB4] =	sst s0  }
0x18: {  	s0 =	sld [smem:$0x3F97];
	_ =	swait.ge [sflag:s4], $0x0  }
0x19: {  	s7 =	sld [smem:$0x3F98]  }
0x1a: {  	s8 =	sadd.s32 $0xFFFFE003, lr  }
0x1b: {  	s9 =	sadd.s32 $0xFFFFFEF7, lr;
	s5 =	simm.s32 $0xFFFFFFFF;
	p2 =	slt.u32 s8, $0xFFFFF086  }
0x1c: {  	p1 =	slt.u32 s9, $0xF7A;
	s5 =	simm.s32 @!p2 $0x0  }
0x1d: {  	s5 =	simm.s32 @p1 $0x1;
	p0 =	seq.s32 s7, s2  }
0x1e: {  	s7 =	smul.u32 @!p0 $0xF7A, s2;
	p2 =	seq.s32 @!p0 s5, $0x0  }
0x1f: {  	s9 =	smul.u32 $0xF7A, s1;
	s8 =	simm.s32 @!p0 $0x1BF5;
	p2 =	por !p2, p0  }
0x20: {  	[sflag:s8] =	ssyncset.s32 @!p0 $0xFFFFF086;
	s6 =	sadd.s32 @!p0 s3, s7;
	s7 =	simm.s32 @!p0 $0x108  }
0x21: {  	s3 =	sadd.s32 s3, s9;
	s6 =	sadd.s32 @!p0 $0x88, s6;
	s7 =	simm.s32 @p2 $0x1082  }
0x22: {  	[simem:s7], [sflag:s8] =	dma.local @!p0 [hbm:s6], $0xF7A  }
0x23: {  	s9 =	sor.u32 $0xD0000000, s2;
	s6 =	simm.s32 $0x108;
	_ =	swait.ge @!p0 [sflag:s8], $0x0  }
0x24: {  	s3 =	sadd.s32 $0x88, s3;
	s6 =	simm.s32 @!p1 $0x1082;
	[sflag:s4] =	ssyncset.s32 $0xFFFFF086  }
0x25: {  	[simem:s6], [sflag:s4] =	dma.local [hbm:s3], $0xF7A  }
0x26: {  	[smem:$0x3F98] =	sst s1;
	(tag) =	ssettag s2;
	_ =	strace s9  }
0x27: {  	s1 =	sld [smem:$0x3FA8]  }
0x28: {  	s2 =	sld [smem:$0x3FA9]  }
0x29: {  	s4 =	sld [smem:$0x3FAB]  }
0x2a: {  	p0 =	seq.s32 s5, $0x0;
	s5 =	sld [smem:$0x3FAC]  }
0x2b: {  	s6 =	sld [smem:$0x3FAD]  }
0x2c: {  	s7 =	sld [smem:$0x3FAE]  }
0x2d: {  	s3 =	simm.s32 $0x108;
	s8 =	sld [smem:$0x3FAF]  }
0x2e: {  	s3 =	simm.s32 @!p0 $0x1082;
	s9 =	sld [smem:$0x3FB0]  }
0x2f: {  	lr =	sadd.s32 s0, s3;
	s0 =	sld [smem:$0x3FA7]  }
0x30: {  	s3 =	sld [smem:$0x3FAA]  }
0x31: {  	[smem:$0x3FB3] =	sst s10  }
0x32: {  	s10 =	sld [smem:$0x3FB1];
	_ =	sdelay $0x3  }
0x33: {  	p0 =	seq.s32 s10, $0x1;
	s10 =	sld [smem:$0x3FB3];
	_ =	sdelay $0x3  }
0x34: {  	[smem:$0x3FB3] =	sst s10  }
0x35: {  	s10 =	sld [smem:$0x3FB2];
	_ =	sdelay $0x3  }
0x36: {  	p1 =	seq.s32 s10, $0x1;
	s10 =	sld [smem:$0x3FB3];
	_ =	sdelay $0x3  }
0x37: {  	[smem:$0x3FB3] =	sst s10  }
0x38: {  	s10 =	sld [smem:$0x3FB4]  }
0x39: {  	_ = 	snop;
	(pc) =	sbr.ind lr, $3  }
0x3a: {  	_ = 	snop  }
0x3b: {  	_ = 	snop  }
0x3c: {  	p2 =	seq.s32 s10, $0x1;
	s10 =	sld [smem:$0x3FB3]  }
0x3d: {  	_ =	shalt  }
0x3e: {  	_ =	shalt  }
0x3f: {  	_ =	shalt  }
0x40: {  	_ =	shalt  }
0x41: {  	_ =	shalt  }
0x42: {  	_ =	shalt  }
0x43: {  	_ =	shalt  }
0x44: {  	_ =	shalt  }
0x45: {  	_ =	shalt  }
0x46: {  	_ =	shalt  }
0x47: {  	_ =	shalt  }
0x48: {  	_ =	shalt  }
0x49: {  	_ =	shalt  }
0x4a: {  	_ =	shalt  }
0x4b: {  	_ =	shalt  }
0x4c: {  	_ =	shalt  }
0x4d: {  	_ =	shalt  }
0x4e: {  	_ =	shalt  }
0x4f: {  	_ =	shalt  }
0x50: {  	_ =	shalt  }
0x51: {  	_ =	shalt  }
0x52: {  	_ =	shalt  }
0x53: {  	_ =	shalt  }
0x54: {  	_ =	shalt  }
0x55: {  	_ =	shalt  }
0x56: {  	_ =	shalt  }
0x57: {  	_ =	shalt  }
0x58: {  	_ =	shalt  }
0x59: {  	_ =	shalt  }
0x5a: {  	_ =	shalt  }
0x5b: {  	_ =	shalt  }
0x5c: {  	_ =	shalt  }
0x5d: {  	_ =	shalt  }
0x5e: {  	_ =	shalt  }
0x5f: {  	_ =	shalt  }
0x60: {  	_ =	shalt  }
0x61: {  	_ =	shalt  }
0x62: {  	_ =	shalt  }
0x63: {  	_ =	shalt  }
0x64: {  	_ =	shalt  }
0x65: {  	_ =	shalt  }
0x66: {  	_ =	shalt  }
0x67: {  	_ =	shalt  }
0x68: {  	_ =	shalt  }
0x69: {  	_ =	shalt  }
0x6a: {  	_ =	shalt  }
0x6b: {  	_ =	shalt  }
0x6c: {  	_ =	shalt  }
0x6d: {  	_ =	shalt  }
0x6e: {  	_ =	shalt  }
0x6f: {  	_ =	shalt  }
0x70: {  	_ =	shalt  }
0x71: {  	_ =	shalt  }
0x72: {  	_ =	shalt  }
0x73: {  	_ =	shalt  }
0x74: {  	_ =	shalt  }
0x75: {  	_ =	shalt  }
0x76: {  	_ =	shalt  }
0x77: {  	_ =	shalt  }
0x78: {  	_ =	shalt  }
0x79: {  	_ =	shalt  }
0x7a: {  	_ =	shalt  }
0x7b: {  	_ =	shalt  }
0x7c: {  	_ =	shalt  }
0x7d: {  	_ =	shalt  }
0x7e: {  	_ =	shalt  }
0x7f: {  	_ =	shalt  }
0x80: {  	_ =	shalt  }
0x81: {  	_ =	shalt  }
0x82: {  	_ =	shalt  }
0x83: {  	_ =	shalt  }
0x84: {  	_ =	shalt  }
0x85: {  	_ =	shalt  }
0x86: {  	_ =	shalt  }
0x87: {  	_ =	shalt  }
.Lfunc_end0:
.L_simem_size_0:
called_computation_lowered:
.L_overlay_start_0:
0x88: {  	s0 =	sld [smem:$0x3FD9]  }
0x89: {  	s1 =	sld [smem:$0x3FFE];
	_ =	sdelay $0x3  }
0x8a: {  	s0 =	sadd.s32 s1, s0  }
0x8b: {  	[smem:$0x3FBF] =	sst s0  }
0x8c: {  	_ = 	snop  }
0x8d: {  	s0 =	sld [smem:$0x3FD0];
	_ =	sdelay $0x2  }
0x8e: {  	s13 =	simm.s32 $0xA;
	s2 =	simm.s32 $0x10  }
0x8f: {  	[smem:s2], [sflag:s13] =	dma.local [hbm:s0], $0x1  }
0x90: {  	_ =	swait.eq [sflag:s13], $0x1  }
0x91: {  	[sflag:s13] =	ssyncset.done $0x0  }
0x92: {  	[sflag:s13] =	ssyncadd.s32 $0xFFFFFFFF  }
0x93: {  	s14 =	sld [smem:$0x10];
	(tm) =	ssettm $0x1  }
0x94: {  	s15 =	sld [smem:$0x3FFB];
	_ =	sdelay $0x3  }
0x95: {  	_ =	strace s15  }
0x96: {  	s1 =	sld [smem:$0x3FFC];
	_ =	sdelay $0x3  }
0x97: {  	_ =	strace s1  }
0x98: {  	s1 =	sld [smem:$0x3FFD];
	_ =	sdelay $0x3  }
0x99: {  	_ =	strace s1  }
0x9a: {  	_ =	strace $0x8FFFFFFF  }
0x9b: {  	s16 =	sld [smem:$0x3FDB];
	_ =	sdelay $0x1  }
0x9c: {  	s17 =	simm.s32 $_scs_section_size  }
0x9d: {  	s3 =	simm.s32 $_size__tile_overlayer_lowered;
	s4 =	simm.s32 $_tile_overlayer_lowered  }
0x9e: {  	s20 =	simm.s32 $0x1BFF;
	s19 =	sshll.u32 s4, $0x1;
	s1 =	sadd.s32 s17, s16  }
0x9f: {  	s5 =	simm.s32 $0x0;
	s18 =	sshll.u32 s3, $0x1;
	s3 =	sadd.s32 s19, s1  }
0xa0: {  	[timem:s5], [sflag:s20] =	dma.local [hbm:s3], s18  }
0xa1: {  	_ =	swait.ge [sflag:s20], s18  }
0xa2: {  	s2 =	ssub.s32 $0x0, s18;
	[sflag:s20] =	ssyncset.done $0x0  }
0xa3: {  	[sflag:s20] =	ssyncadd.s32 s2;
	_ =	sdelay $0x1  }
0xa4: {  	s21 =	simm.s32 $0x1B8B  }
0xa5: {  	_ =	swait.ge [sflag:s21], $0x1  }
0xa6: {  	[sflag:s21] =	ssyncset.done $0x0  }
0xa7: {  	s23 =	simm.s32 $0x1B8E;
	s22 =	sld [smem:$0x3FFE];
	[sflag:s21] =	ssyncadd.s32 $0xFFFFFFFF  }
0xa8: {  	s24 =	simm.s32 $execute0_lowered;
	[smem:$0x3FD2] =	sst s23  }
0xa9: {  	s3 =	sshll.u32 s24, $0x1;
	_ =	strace $0x80000046;
	[dreg:$0x1] =	wrdreg $0xFFFFFFFF  }
0xaa: {  	s25 =	simm.s32 $_size_execute0_lowered;
	s1 =	sadd.s32 s1, s3;
	[dreg:$0x0] =	wrdreg $0x0  }
0xab: {  	s3 =	sshll.u32 s25, $0x1;
	[dreg:$0x2] =	wrdreg s1  }
0xac: {  	[dreg:$0x3] =	wrdreg s3  }
0xad: {  	[dreg:$0x4] =	wrdreg $0xC0  }
0xae: {  	_ =	task [dreg:s5], $0x5FFFF  }
0xaf: {  	[dreg:$0x1] =	wrdreg $0xFFFFFFFF  }
0xb0: {  	[dreg:$0x0] =	wrdreg $0x60  }
0xb1: {  	[dreg:$0x2] =	wrdreg s22  }
0xb2: {  	[dreg:$0x3] =	wrdreg s14  }
0xb3: {  	[dreg:$0x4] =	wrdreg $0x9  }
0xb4: {  	_ =	task.clear_ibuf [dreg:s5], $0x5FFFF;
	_ =	strace $0x90000046  }
0xb5: {  	s26 =	simm.s32 $0x9;
	_ =	strace $0x80000048  }
0xb6: {  	_ =	swait.ge [sflag:s26], $0x1  }
0xb7: {  	[sflag:s26] =	ssyncadd.s32 $0xFFFFFFFF  }
0xb8: {  	_ =	strace $0x90000048  }
0xb9: {  	_ =	sfence  }
0xba: {  	s28 =	sld [smem:$0x0];
	_ =	sdelay $0x1  }
0xbb: {  	s29 =	srdreg.scid  }
0xbc: {  	s30 =	sshll.u32 s29, $0xD;
	s31 =	sshrl.u32 s29, $0x2  }
0xbd: {  	s2 =	sand.u32 $0x4000, s30;
	s1 =	sand.u32 $0x1, s29;
	s0 =	sadd.s32 s31, s28  }
0xbe: {  	s1 =	sor.u32 s2, s1;
	s0 =	sshll.u32 s0, $0x11  }
0xbf: {  	s0 =	sor.u32 s0, s1  }
0xc0: {  	s0 =	sadd.s32 $0x8F2B, s0  }
0xc1: {  	[sflag:s0] =	ssyncadd.remote.s32 $0x1  }
0xc2: {  	_ =	sfence.sel $0xFFFF  }
0xc3: {  	[dreg:$0x0] =	wrdreg $0xFFFFFFFF;
	(pc) =	sbr.abs _section_cstart, $3  }
0xc4: {  	[dreg:$0x1] =	wrdreg $0xFFFFFFFF  }
0xc5: {  	_ =	task.clear_ibuf [dreg:s5], $0x2FFFF;
	_ =	strace $0x9FFFFFFF  }
0xc6: {  	(tm) =	ssettm $0x7FFFFFFF  }
0xc7: {  	_ =	shalt  }
tec
execute0_lowered:
.L_overlay_start_1:
0x0: {  	(tag) =	ssettag $0x1  }
0x1: {  	s2 =	rddreg [dreg:$0x0];
	s1 =	stileid.u32  }
0x2: {  	s3 =	rddreg [dreg:$0x1];
	s4 =	simm.s32 $0x0;
	s5 =	sshll.u32 s1, $0x6  }
0x3: {  	[smem:$0x7FF] =	sst s4;
	s5 =	sadd.s32 s5, s2  }
0x4: {  	s0 =	rddreg [dreg:$0x2];
	_ =	strace $0x80000047;
	s6 =	sadd.s32 $0x1600, s5  }
0x5: {  	[tilespmem:s4], [sflag:$0x1] =	stream.linear.gather [hbm4b:s6+s4], $0x200, $0x38;
	[tilespmem:$0x600] =	vst v63  }
0x6: {  	s7 =	simm.s32 $0x200;
	s18 =	sadd.s32 $0x1200, s5  }
0x7: {  	[tilespmem:s7], [sflag:$0x1] =	stream.linear.gather [hbm4b:s18+s4], $0x200, $0x38;
	[tilespmem:$0x600] =	vst v63  }
0x8: {  	s19 =	simm.s32 $0x400;
	s20 =	simm.s32 $0x1;
	s5 =	sadd.s32 $0x1A00, s5  }
0x9: {  	[tilespmem:s19], [sflag:$0x1] =	stream.linear.gather [hbm4b:s5+s4], $0x200, $0x38;
	[tilespmem:$0x600] =	vst v63  }
0xa: {  	_ =	swait.ge [sflag:s20], $0x200  }
0xb: {  	[sflag:s20] =	ssyncset.done $0x0  }
0xc: {  	[sflag:s20] =	ssyncadd.s32 $0xFFFFFE00  }
0xd: {  	_ =	swait.ge [sflag:s20], $0x200  }
0xe: {  	[sflag:s20] =	ssyncset.done $0x0  }
0xf: {  	[sflag:s20] =	ssyncadd.s32 $0xFFFFFE00  }
0x10: {  	_ =	swait.ge [sflag:s20], $0x200  }
0x11: {  	[sflag:s20] =	ssyncset.done $0x0  }
0x12: {  	s21 =	simm.s32 $0x80;
	[sflag:s20] =	ssyncadd.s32 $0xFFFFFE00  }
0x13: {  	[hbm4b:s3+s21] =	stream.indirect.scatter [tilespmem:s7], [sflag:$0x2], $0x1, s4, s21, $0xb8;
	[tilespmem:$0x600] =	vst v63  }
0x14: {  	s2 =	sadd.s32 $0x1E00, s2  }
0x15: {  	[hbm4b:s2+s21] =	stream.indirect.scatter [tilespmem:s19], [sflag:$0x2], $0x1, s4, s21, $0xb8;
	[tilespmem:$0x600] =	vst v63  }
0x16: {  	s22 =	simm.s32 $0x280  }
0x17: {  	[hbm4b:s3+s21] =	stream.indirect.scatter [tilespmem:s22], [sflag:$0x2], $0x1, s21, s21, $0xb8;
	[tilespmem:$0x600] =	vst v63  }
0x18: {  	s23 =	simm.s32 $0x480  }
0x19: {  	[hbm4b:s2+s21] =	stream.indirect.scatter [tilespmem:s23], [sflag:$0x2], $0x1, s21, s21, $0xb8;
	[tilespmem:$0x600] =	vst v63  }
0x1a: {  	s24 =	simm.s32 $0x100;
	s25 =	simm.s32 $0x300  }
0x1b: {  	[hbm4b:s3+s21] =	stream.indirect.scatter [tilespmem:s25], [sflag:$0x2], $0x1, s24, s21, $0xb8;
	[tilespmem:$0x600] =	vst v63  }
0x1c: {  	s26 =	simm.s32 $0x500  }
0x1d: {  	[hbm4b:s2+s21] =	stream.indirect.scatter [tilespmem:s26], [sflag:$0x2], $0x1, s24, s21, $0xb8;
	[tilespmem:$0x600] =	vst v63  }
0x1e: {  	s28 =	simm.s32 $0x180;
	s29 =	simm.s32 $0x380  }
0x1f: {  	[hbm4b:s3+s21] =	stream.indirect.scatter [tilespmem:s29], [sflag:$0x2], $0x1, s28, s21, $0xb8;
	[tilespmem:$0x600] =	vst v63  }
0x20: {  	s30 =	simm.s32 $0x580;
	s31 =	simm.s32 $0x2  }
0x21: {  	[hbm4b:s2+s21] =	stream.indirect.scatter [tilespmem:s30], [sflag:$0x2], $0x1, s28, s21, $0xb8;
	[tilespmem:$0x600] =	vst v63  }
0x22: {  	_ =	swait.ge [sflag:s31], $0x80  }
0x23: {  	[sflag:s31] =	ssyncset.done $0x0  }
0x24: {  	[sflag:s31] =	ssyncadd.s32 $0xFFFFFF80  }
0x25: {  	_ =	swait.ge [sflag:s31], $0x80  }
0x26: {  	[sflag:s31] =	ssyncset.done $0x0  }
0x27: {  	[sflag:s31] =	ssyncadd.s32 $0xFFFFFF80  }
0x28: {  	_ =	swait.ge [sflag:s31], $0x80  }
0x29: {  	[sflag:s31] =	ssyncset.done $0x0  }
0x2a: {  	[sflag:s31] =	ssyncadd.s32 $0xFFFFFF80  }
0x2b: {  	_ =	swait.ge [sflag:s31], $0x80  }
0x2c: {  	[sflag:s31] =	ssyncset.done $0x0  }
0x2d: {  	[sflag:s31] =	ssyncadd.s32 $0xFFFFFF80  }
0x2e: {  	_ =	swait.ge [sflag:s31], $0x80  }
0x2f: {  	[sflag:s31] =	ssyncset.done $0x0  }
0x30: {  	[sflag:s31] =	ssyncadd.s32 $0xFFFFFF80  }
0x31: {  	_ =	swait.ge [sflag:s31], $0x80  }
0x32: {  	[sflag:s31] =	ssyncset.done $0x0  }
0x33: {  	[sflag:s31] =	ssyncadd.s32 $0xFFFFFF80  }
0x34: {  	_ =	swait.ge [sflag:s31], $0x80  }
0x35: {  	[sflag:s31] =	ssyncset.done $0x0  }
0x36: {  	[sflag:s31] =	ssyncadd.s32 $0xFFFFFF80  }
0x37: {  	_ =	swait.ge [sflag:s31], $0x80  }
0x38: {  	[sflag:s31] =	ssyncset.done $0x0  }
0x39: {  	[sflag:s31] =	ssyncadd.s32 $0xFFFFFF80  }
0x3a: {  	_ =	sfence.sel $0x180000  }
0x3b: {  	[bflag:$0x0] =	sbarrier.arrive $0xFFFF  }
0x3c: {  	p0 =	sne.s32 s1, $0x0;
	_ =	strace $0x90000047  }
0x3d: {  	s0 =	sadd.s32 @!p0 $0x100000, s0;
	[bflag:$0x2] =	sbarrier.arrive $0xFFFF  }
0x3e: {  	[sflag:s0] =	ssyncadd.tile.s32 @!p0 $0x1;
	_ =	shalt  }
.Lfunc_end2:
_tile_overlayer_lowered:
.L_overlay_start_2:
0x3f: {  	(tag) =	ssettag $0x2  }
0x40: {  	s0 =	rddreg [dreg:$0x0];
	s2 =	stileid.u32  }
0x41: {  	s1 =	rddreg [dreg:$0x1];
	p0 =	sne.s32 s2, $0x0  }
0x42: {  	s3 =	rddreg [dreg:$0x2];
	[bflag:$0x3] =	sbarrier.arrive $0xFFFF;
	s2 =	simm.s32 @!p0 $0x1C03  }
0x43: {  	[timem:s3], [sflag:s2] =	dma.local @!p0 [hbm:s0], s1  }
0x44: {  	s0 =	simm.s32 @!p0 $0x3  }
0x45: {  	_ =	swait.ge @!p0 [sflag:s0], s1  }
0x46: {  	s1 =	ssub.s32 @!p0 $0x0, s1;
	[sflag:s0] =	ssyncset.done @!p0 $0x0  }
0x47: {  	[sflag:s0] =	ssyncadd.s32 @!p0 s1  }
0x48: {  	[bflag:$0x3] =	sbarrier.arrive $0xFFFF  }
0x49: {  	_ =	shalt  }

</sc_bundles>
